<compile_context>
chip_gen: v7x
topology: tpu7x:2x2x1
jax: 0.10.2.dev20260603
libtpu: 0.0.44.dev20260713+nightly
codegen_flags: <defaults>
</compile_context>

<pallas_src>
import functools

import numpy as np

import jax
import jax.numpy as jnp
from jax import lax
from jax.experimental import pallas as pl
from jax.experimental.pallas import tpu as pltpu
from jax.experimental.pallas import tpu_sc as plsc

_N = 512
_E = 16384
_NH = 4
_HID = 128
_F32 = jnp.float32
_BI = 64


_SC_ROWS = _N // 16
_SC_MESH = plsc.VectorSubcoreMesh(core_axis_name="c", subcore_axis_name="s",
                                  num_cores=1)


@functools.partial(
    pl.kernel,
    out_type=jax.ShapeDtypeStruct((_N, _N), _F32),
    mesh=_SC_MESH,
    scratch_types=[
        pltpu.VMEM((_E,), jnp.int32),
        pltpu.VMEM((_E,), jnp.int32),
        pltpu.VMEM((_SC_ROWS * _N,), _F32),
    ],
    compiler_params=pltpu.CompilerParams(needs_layout_passes=False),
)
def _sc_count(edge_hbm, out_hbm, src_v, dst_v, blk_v):
    wid = lax.axis_index("s")
    base = wid * _SC_ROWS
    pltpu.sync_copy(edge_hbm.at[0], src_v)
    pltpu.sync_copy(edge_hbm.at[1], dst_v)

    @plsc.parallel_loop(0, _SC_ROWS * _N // 16, unroll=8)
    def _zero(i):
        blk_v[pl.ds(i * 16, 16)] = jnp.zeros((16,), _F32)

    ones = jnp.full((16,), 1.0, _F32)

    @plsc.parallel_loop(0, _E // 16, unroll=8)
    def _scatter(i):
        s16 = src_v[pl.ds(i * 16, 16)]
        d16 = dst_v[pl.ds(i * 16, 16)]
        r16 = d16 - base
        m = (r16 >= 0) & (r16 < _SC_ROWS)
        idx = jnp.where(m, r16 * _N + s16, 0)
        plsc.addupdate_scatter(blk_v, [idx], ones, mask=m)

    for r in range(_SC_ROWS):
        pltpu.sync_copy(blk_v.at[pl.ds(r * _N, _N)], out_hbm.at[base + r])


def _fused_body(x_ref, w1_ref, albd1_ref, arbd1_ref, b1_ref,
                w2_ref, albd2_ref, arbd2_ref, b2_ref,
                c_ref, l1wa_ref, l1wb_ref, l1b_ref,
                l2w_ref, l2b_ref, w3_ref, b3_ref,
                out_ref, a_s, b_s):
    i = pl.program_id(0)
    n = _N

    @pl.when(i == 0)
    def _():
        cm = c_ref[...]
        mask = cm > 0.0

        def attention(h, albd, arbd):
            el = jnp.dot(h, albd, preferred_element_type=_F32)
            er = jnp.dot(h, arbd, preferred_element_type=_F32)
            elt = el.T
            outs = []
            for hd in range(_NH):
                hh = h[:, hd * _HID:(hd + 1) * _HID]
                e = elt[hd:hd + 1, :] + er[:, hd:hd + 1]
                e = jnp.where(e >= 0.0, e, 0.2 * e)
                emax = jnp.max(jnp.where(mask, e, -1e30), axis=1,
                               keepdims=True)
                emax = jnp.where(emax > -1e29, emax, 0.0)
                p = jnp.where(mask, jnp.exp(e - emax), 0.0) * cm
                denom = jnp.sum(p, axis=1, keepdims=True)
                denom = jnp.where(denom > 0.0, denom, 1.0)
                alpha = p / denom
                outs.append(jnp.dot(alpha, hh, preferred_element_type=_F32))
            return outs

        h1 = jnp.dot(x_ref[...], w1_ref[...], preferred_element_type=_F32)
        o1 = attention(h1, albd1_ref[...], arbd1_ref[...])
        acts = []
        for hd in range(_NH):
            v = o1[hd] + b1_ref[...][:, hd * _HID:(hd + 1) * _HID]
            acts.append(jnp.where(v > 0.0,
                                  v, jnp.exp(jnp.minimum(v, 0.0)) - 1.0))
        h2in = jnp.concatenate(acts, axis=1)

        h2 = jnp.dot(h2in, w2_ref[...], preferred_element_type=_F32)
        o2 = attention(h2, albd2_ref[...], arbd2_ref[...])
        hm = jnp.zeros((n, _HID), _F32)
        for hd in range(_NH):
            hm = hm + (o2[hd] + h2in[:, hd * _HID:(hd + 1) * _HID]
                       + b2_ref[...][:, hd * _HID:(hd + 1) * _HID])
        hm = hm * (1.0 / _NH)

        a_s[...] = (jnp.dot(hm, l1wa_ref[...], preferred_element_type=_F32)
                    + l1b_ref[...]).astype(jnp.bfloat16)
        b_s[...] = jnp.dot(hm, l1wb_ref[...],
                           preferred_element_type=_F32).astype(jnp.bfloat16)

    a = a_s[pl.ds(i * _BI, _BI), :]
    zero16 = jnp.zeros((), jnp.bfloat16)
    z = jnp.maximum(a[:, None, :] + b_s[...][None, :, :], zero16)
    z = z.reshape(_BI * n, _HID)
    q = (jnp.dot(z, l2w_ref[...].astype(jnp.bfloat16),
                 preferred_element_type=_F32) + l2b_ref[...])
    q = jnp.maximum(q, 0.0).astype(jnp.bfloat16)
    s = jax.lax.dot_general(w3_ref[...].astype(jnp.bfloat16), q,
                            (((1,), (1,)), ((), ())),
                            preferred_element_type=_F32) + b3_ref[...]
    sig = 1.0 / (1.0 + jnp.exp(-s))
    out_ref[...] = sig[0:1, :].reshape(_BI * n)


_KRON = np.kron(np.eye(_NH, dtype=np.float32), np.ones((_HID, 1), np.float32))


def kernel(x, edge_index, W1, al1, ar1, b1, W2, al2, ar2, b2,
           l1W, l1b, l2W, l2b, l3W, l3b):
    n = _N

    C = _sc_count(edge_index)

    def blockdiag(al):
        return al.reshape(_NH * _HID, 1) * _KRON

    cst = lambda shp: pl.BlockSpec(shp, lambda i: tuple(0 for _ in shp))
    w3rep = jnp.broadcast_to(l3W.reshape(1, _HID), (8, _HID))
    P = pl.pallas_call(
        _fused_body,
        grid=(n // _BI,),
        in_specs=[cst((n, x.shape[1])), cst((x.shape[1], _NH * _HID)),
                  cst((_NH * _HID, _NH)), cst((_NH * _HID, _NH)),
                  cst((1, _NH * _HID)),
                  cst((_NH * _HID, _NH * _HID)),
                  cst((_NH * _HID, _NH)), cst((_NH * _HID, _NH)),
                  cst((1, _NH * _HID)),
                  cst((n, n)), cst((_HID, _HID)), cst((_HID, _HID)),
                  cst((1, _HID)),
                  cst((_HID, _HID)), cst((1, _HID)), cst((8, _HID)),
                  cst((1, 1))],
        out_specs=pl.BlockSpec((_BI * n,), lambda i: (i,)),
        out_shape=jax.ShapeDtypeStruct((n * n,), _F32),
        scratch_shapes=[pltpu.VMEM((n, _HID), jnp.bfloat16),
                        pltpu.VMEM((n, _HID), jnp.bfloat16)],
    )(x, W1, blockdiag(al1), blockdiag(ar1), b1.reshape(1, _NH * _HID),
      W2, blockdiag(al2), blockdiag(ar2), b2.reshape(1, _NH * _HID),
      C, l1W[:_HID], l1W[_HID:], l1b.reshape(1, _HID),
      l2W, l2b.reshape(1, _HID), w3rep, l3b.reshape(1, 1))
    return P

# --- scband reference (transcript-rebuilt; emitter-appended) ---
"""Pipeline reference for scband-binary-classifier-32074815767285 (READ-ONLY COPY).

The authoritative reference and input builder live on the scoring server;
editing this copy changes nothing except your own understanding.
"""

import jax, jax.numpy as jnp
import numpy as np

N = 512
E = 16384
IN_SIZE = 256
HID = 128
HEADS = (4, 4)


def setup_inputs(seed: int = 0):
    key = jax.random.key(seed)
    ks = jax.random.split(key, 16)

    def w(k, shape, fan_in):
        return (jax.random.normal(k, shape, dtype=jnp.float32) / np.sqrt(fan_in)).astype(jnp.float32)

    inp = {}
    inp["x"] = jax.random.normal(ks[0], (N, IN_SIZE), dtype=jnp.float32)
    inp["edge_index"] = jax.random.randint(ks[1], (2, E), 0, N, dtype=jnp.int32)
    inp["W1"] = w(ks[2], (IN_SIZE, HEADS[0] * HID), IN_SIZE)
    inp["al1"] = w(ks[3], (HEADS[0], HID), HID)
    inp["ar1"] = w(ks[4], (HEADS[0], HID), HID)
    inp["b1"] = jnp.zeros((HEADS[0] * HID,), dtype=jnp.float32)
    inp["W2"] = w(ks[5], (HEADS[0] * HID, HEADS[1] * HID), HEADS[0] * HID)
    inp["al2"] = w(ks[6], (HEADS[1], HID), HID)
    inp["ar2"] = w(ks[7], (HEADS[1], HID), HID)
    inp["b2"] = jnp.zeros((HEADS[1] * HID,), dtype=jnp.float32)
    inp["l1W"] = w(ks[8], (2 * HID, HID), 2 * HID)
    inp["l1b"] = jnp.zeros((HID,), dtype=jnp.float32)
    inp["l2W"] = w(ks[9], (HID, HID), HID)
    inp["l2b"] = jnp.zeros((HID,), dtype=jnp.float32)
    inp["l3W"] = w(ks[10], (HID, 1), HID)
    inp["l3b"] = jnp.zeros((1,), dtype=jnp.float32)
    return inp


def _gat_conv(x, src, dst, W, al, ar, bias, num_heads, out_feats, activation, residual):
    # Faithful port of DGL GATConv (feat_drop=attn_drop=0, negative_slope=0.2, bias=True)
    n = x.shape[0]
    h = (x @ W).reshape(n, num_heads, out_feats)
    el = jnp.sum(h * al[None, :, :], axis=-1)  # [n, H]
    er = jnp.sum(h * ar[None, :, :], axis=-1)  # [n, H]
    e = jax.nn.leaky_relu(el[src] + er[dst], negative_slope=0.2)  # [E, H]
    # edge softmax over incoming edges of each dst node (max-subtracted, max detached)
    emax = jax.lax.stop_gradient(jax.ops.segment_max(e, dst, num_segments=n))
    emax = jnp.where(jnp.isfinite(emax), emax, 0.0)
    a = jnp.exp(e - emax[dst])
    asum = jax.ops.segment_sum(a, dst, num_segments=n)
    alpha = a / asum[dst]
    out = jax.ops.segment_sum(h[src] * alpha[:, :, None], dst, num_segments=n)
    if residual:
        # in_feats == num_heads*out_feats -> Identity residual, reshaped
        out = out + x.reshape(n, num_heads, out_feats)
    out = out + bias.reshape(1, num_heads, out_feats)
    if activation is not None:
        out = activation(out)
    return out


def reference(x, edge_index, W1, al1, ar1, b1, W2, al2, ar2, b2, l1W, l1b, l2W, l2b, l3W, l3b):
    src = edge_index[0]
    dst = edge_index[1]
    n = x.shape[0]
    h = _gat_conv(x, src, dst, W1, al1, ar1, b1, HEADS[0], HID, jax.nn.elu, False)
    h = h.reshape(n, HEADS[0] * HID)  # flatten(1)
    h = _gat_conv(h, src, dst, W2, al2, ar2, b2, HEADS[1], HID, None, True)
    h = h.mean(axis=1)  # [n, HID]
    # all-pairs concat: row i*n+j = [h_i, h_j]
    second = jnp.repeat(h, n, axis=0)
    first = jnp.tile(h, (n, 1))
    p = jnp.concatenate([second, first], axis=1)  # [n*n, 2*HID]
    p = jax.nn.relu(p @ l1W + l1b)
    p = jax.nn.relu(p @ l2W + l2b)
    p = jax.nn.sigmoid(p @ l3W + l3b)
    return p[:, 0]

if __name__ == "__main__":
    import jax
    _d = setup_inputs()
    print(jax.jit(kernel)(*tuple(_d.values())))

</pallas_src>

<mosaic_0001>
#map = affine_map<(d0, d1) -> (0, 0)>
module attributes {stable_mosaic.version = 14 : i64} {
  func.func @_sc_count(%arg0: i32, %arg1: i32, %arg2: memref<2x16384xi32, #tpu.memory_space<hbm>>, %arg3: memref<512x512xf32, #tpu.memory_space<hbm>>, %arg4: memref<16384xi32, #tpu.memory_space<vmem>>, %arg5: memref<16384xi32, #tpu.memory_space<vmem>>, %arg6: memref<16384xf32, #tpu.memory_space<vmem>>) attributes {dimension_semantics = [#tpu.dimension_semantics<core_parallel>, #tpu.dimension_semantics<subcore_parallel>], iteration_bounds = array<i64: 1, 16>, scalar_prefetch = 0 : i64, scratch_operands = 3 : i64, tpu.core_type = #tpu.core_type<sc_vector_subcore>, window_params = [{transform_indices = #map}, {transform_indices = #map}]} {
    %mul3A = arith.constant 32 : i32
    %mul3A_0 = arith.muli %arg1, %mul3A : i32
    %run_scoped3A = arith.constant 0 : i32
    "tpu.region"() ({
      %run_scoped3A_71 = tpu.sem_alloc : memref<!tpu.dma_semaphore, #tpu.memory_space<semaphore_mem>>
      %dma_start3A = arith.constant 0 : i32
      %dma_start3A_72 = tpu.memref_slice %arg2[%run_scoped3A, %dma_start3A] : memref<2x16384xi32, #tpu.memory_space<hbm>> -> memref<1x16384xi32, #tpu.memory_space<hbm>>
      %dma_start3A_73 = tpu.memref_squeeze %dma_start3A_72 : memref<1x16384xi32, #tpu.memory_space<hbm>> -> memref<16384xi32, #tpu.memory_space<hbm>>
      %dma_start3A_74 = arith.constant 0 : i32
      %dma_start3A_75 = tpu.memref_slice %arg2[%run_scoped3A, %dma_start3A_74] : memref<2x16384xi32, #tpu.memory_space<hbm>> -> memref<1x16384xi32, #tpu.memory_space<hbm>>
      %dma_start3A_76 = tpu.memref_squeeze %dma_start3A_75 : memref<1x16384xi32, #tpu.memory_space<hbm>> -> memref<16384xi32, #tpu.memory_space<hbm>>
      tpu.enqueue_dma source(%dma_start3A_76 : memref<16384xi32, #tpu.memory_space<hbm>>) target(%arg4 : memref<16384xi32, #tpu.memory_space<vmem>>) target_semaphore(%run_scoped3A_71 : memref<!tpu.dma_semaphore, #tpu.memory_space<semaphore_mem>>)
      %dma_wait3A = arith.constant 0 : i32
      %dma_wait3A_77 = tpu.memref_slice %arg2[%run_scoped3A, %dma_wait3A] : memref<2x16384xi32, #tpu.memory_space<hbm>> -> memref<1x16384xi32, #tpu.memory_space<hbm>>
      %dma_wait3A_78 = tpu.memref_squeeze %dma_wait3A_77 : memref<1x16384xi32, #tpu.memory_space<hbm>> -> memref<16384xi32, #tpu.memory_space<hbm>>
      %dma_wait3A_79 = arith.constant 0 : i32
      %dma_wait3A_80 = tpu.memref_slice %arg2[%run_scoped3A, %dma_wait3A_79] : memref<2x16384xi32, #tpu.memory_space<hbm>> -> memref<1x16384xi32, #tpu.memory_space<hbm>>
      %dma_wait3A_81 = tpu.memref_squeeze %dma_wait3A_80 : memref<1x16384xi32, #tpu.memory_space<hbm>> -> memref<16384xi32, #tpu.memory_space<hbm>>
      tpu.wait_dma2 semaphore(%run_scoped3A_71 : memref<!tpu.dma_semaphore, #tpu.memory_space<semaphore_mem>>) src(%dma_wait3A_81 : memref<16384xi32, #tpu.memory_space<hbm>>) dst(%arg4 : memref<16384xi32, #tpu.memory_space<vmem>>)
      tpu.yield
    }) : () -> ()
    %run_scoped3A_1 = arith.constant 1 : i32
    "tpu.region"() ({
      %run_scoped3A_71 = tpu.sem_alloc : memref<!tpu.dma_semaphore, #tpu.memory_space<semaphore_mem>>
      %dma_start3A = arith.constant 0 : i32
      %dma_start3A_72 = tpu.memref_slice %arg2[%run_scoped3A_1, %dma_start3A] : memref<2x16384xi32, #tpu.memory_space<hbm>> -> memref<1x16384xi32, #tpu.memory_space<hbm>>
      %dma_start3A_73 = tpu.memref_squeeze %dma_start3A_72 : memref<1x16384xi32, #tpu.memory_space<hbm>> -> memref<16384xi32, #tpu.memory_space<hbm>>
      %dma_start3A_74 = arith.constant 0 : i32
      %dma_start3A_75 = tpu.memref_slice %arg2[%run_scoped3A_1, %dma_start3A_74] : memref<2x16384xi32, #tpu.memory_space<hbm>> -> memref<1x16384xi32, #tpu.memory_space<hbm>>
      %dma_start3A_76 = tpu.memref_squeeze %dma_start3A_75 : memref<1x16384xi32, #tpu.memory_space<hbm>> -> memref<16384xi32, #tpu.memory_space<hbm>>
      tpu.enqueue_dma source(%dma_start3A_76 : memref<16384xi32, #tpu.memory_space<hbm>>) target(%arg5 : memref<16384xi32, #tpu.memory_space<vmem>>) target_semaphore(%run_scoped3A_71 : memref<!tpu.dma_semaphore, #tpu.memory_space<semaphore_mem>>)
      %dma_wait3A = arith.constant 0 : i32
      %dma_wait3A_77 = tpu.memref_slice %arg2[%run_scoped3A_1, %dma_wait3A] : memref<2x16384xi32, #tpu.memory_space<hbm>> -> memref<1x16384xi32, #tpu.memory_space<hbm>>
      %dma_wait3A_78 = tpu.memref_squeeze %dma_wait3A_77 : memref<1x16384xi32, #tpu.memory_space<hbm>> -> memref<16384xi32, #tpu.memory_space<hbm>>
      %dma_wait3A_79 = arith.constant 0 : i32
      %dma_wait3A_80 = tpu.memref_slice %arg2[%run_scoped3A_1, %dma_wait3A_79] : memref<2x16384xi32, #tpu.memory_space<hbm>> -> memref<1x16384xi32, #tpu.memory_space<hbm>>
      %dma_wait3A_81 = tpu.memref_squeeze %dma_wait3A_80 : memref<1x16384xi32, #tpu.memory_space<hbm>> -> memref<16384xi32, #tpu.memory_space<hbm>>
      tpu.wait_dma2 semaphore(%run_scoped3A_71 : memref<!tpu.dma_semaphore, #tpu.memory_space<semaphore_mem>>) src(%dma_wait3A_81 : memref<16384xi32, #tpu.memory_space<hbm>>) dst(%arg5 : memref<16384xi32, #tpu.memory_space<vmem>>)
      tpu.yield
    }) : () -> ()
    %parallel_loop3A = arith.constant 0 : i32
    %parallel_loop3A_2 = arith.constant 1024 : i32
    %parallel_loop3A_3 = arith.constant 1 : i32
    scf.for %parallel_loop3A_71 = %parallel_loop3A to %parallel_loop3A_2 step %parallel_loop3A_3  : i32 {
      %parallel_loop3A_72 = arith.constant 0.000000e+00 : f32
      %parallel_loop3A_73 = vector.broadcast %parallel_loop3A_72 : f32 to vector<16xf32>
      %parallel_loop3A_74 = arith.constant 16 : i32
      %parallel_loop3A_75 = arith.muli %parallel_loop3A_71, %parallel_loop3A_74 : i32
      %parallel_loop3A_76 = arith.index_cast %parallel_loop3A_75 : i32 to index
      %parallel_loop3A_77 = tpu.vector_load %arg6[%parallel_loop3A_76] {strides = array<i32>} : memref<16384xf32, #tpu.memory_space<vmem>>, vector<16xf32>,
      tpu.vector_store %arg6[%parallel_loop3A_76], %parallel_loop3A_73 {strides = array<i32>} : memref<16384xf32, #tpu.memory_space<vmem>>, vector<16xf32>,
    } {sc.loop_unroll_factor = 8 : i64, sc.parallel_access}
    %broadcast_in_dim3A = arith.constant 1.000000e+00 : f32
    %broadcast_in_dim3A_4 = vector.broadcast %broadcast_in_dim3A : f32 to vector<16xf32>
    %parallel_loop3A_5 = arith.constant 0 : i32
    %parallel_loop3A_6 = arith.constant 1024 : i32
    %parallel_loop3A_7 = arith.constant 1 : i32
    scf.for %parallel_loop3A_71 = %parallel_loop3A_5 to %parallel_loop3A_6 step %parallel_loop3A_7  : i32 {
      %parallel_loop3A_72 = arith.constant 16 : i32
      %parallel_loop3A_73 = arith.muli %parallel_loop3A_71, %parallel_loop3A_72 : i32
      %parallel_loop3A_74 = arith.index_cast %parallel_loop3A_73 : i32 to index
      %parallel_loop3A_75 = tpu.vector_load %arg4[%parallel_loop3A_74] {strides = array<i32>} : memref<16384xi32, #tpu.memory_space<vmem>>, vector<16xi32>,
      %parallel_loop3A_76 = arith.constant 16 : i32
      %parallel_loop3A_77 = arith.muli %parallel_loop3A_71, %parallel_loop3A_76 : i32
      %parallel_loop3A_78 = arith.index_cast %parallel_loop3A_77 : i32 to index
      %parallel_loop3A_79 = tpu.vector_load %arg5[%parallel_loop3A_78] {strides = array<i32>} : memref<16384xi32, #tpu.memory_space<vmem>>, vector<16xi32>,
      %parallel_loop3A_80 = vector.broadcast %mul3A_0 : i32 to vector<16xi32>
      %parallel_loop3A_81 = arith.subi %parallel_loop3A_79, %parallel_loop3A_80 : vector<16xi32>
      %parallel_loop3A_82 = arith.constant 0 : i32
      %parallel_loop3A_83 = vector.broadcast %parallel_loop3A_82 : i32 to vector<16xi32>
      %parallel_loop3A_84 = arith.cmpi sge, %parallel_loop3A_81, %parallel_loop3A_83 : vector<16xi32>
      %parallel_loop3A_85 = arith.constant 32 : i32
      %parallel_loop3A_86 = vector.broadcast %parallel_loop3A_85 : i32 to vector<16xi32>
      %parallel_loop3A_87 = arith.cmpi slt, %parallel_loop3A_81, %parallel_loop3A_86 : vector<16xi32>
      %parallel_loop3A_88 = arith.andi %parallel_loop3A_84, %parallel_loop3A_87 : vector<16xi1>
      %parallel_loop3A_89 = arith.constant 512 : i32
      %parallel_loop3A_90 = vector.broadcast %parallel_loop3A_89 : i32 to vector<16xi32>
      %parallel_loop3A_91 = arith.muli %parallel_loop3A_81, %parallel_loop3A_90 : vector<16xi32>
      %parallel_loop3A_92 = arith.addi %parallel_loop3A_91, %parallel_loop3A_75 : vector<16xi32>
      %parallel_loop3A_93 = arith.constant 0 : i32
      %parallel_loop3A_94 = vector.broadcast %parallel_loop3A_93 : i32 to vector<16xi32>
      %parallel_loop3A_95 = arith.select %parallel_loop3A_88, %parallel_loop3A_92, %parallel_loop3A_94 : vector<16xi1>, vector<16xi32>
      tpu.vector_store_idx %arg6[%parallel_loop3A_95], %broadcast_in_dim3A_4 masked %parallel_loop3A_88 {add = true} : memref<16384xf32, #tpu.memory_space<vmem>>[vector<16xi32>], vector<16xf32>, vector<16xi1>
    } {sc.loop_unroll_factor = 8 : i64, sc.parallel_access}
    %add3A = arith.constant 0 : i32
    %add3A_8 = arith.addi %mul3A_0, %add3A : i32
    "tpu.region"() ({
      %run_scoped3A_71 = tpu.sem_alloc : memref<!tpu.dma_semaphore, #tpu.memory_space<semaphore_mem>>
      %dma_start3A = arith.constant 0 : i32
      %dma_start3A_72 = tpu.memref_slice %arg6[%dma_start3A] : memref<16384xf32, #tpu.memory_space<vmem>> -> memref<512xf32, #tpu.memory_space<vmem>>
      %dma_start3A_73 = arith.constant 0 : i32
      %dma_start3A_74 = tpu.memref_slice %arg3[%add3A_8, %dma_start3A_73] : memref<512x512xf32, #tpu.memory_space<hbm>> -> memref<1x512xf32, #tpu.memory_space<hbm>>
      %dma_start3A_75 = tpu.memref_squeeze %dma_start3A_74 : memref<1x512xf32, #tpu.memory_space<hbm>> -> memref<512xf32, #tpu.memory_space<hbm>>
      %dma_start3A_76 = arith.constant 0 : i32
      %dma_start3A_77 = tpu.memref_slice %arg3[%add3A_8, %dma_start3A_76] : memref<512x512xf32, #tpu.memory_space<hbm>> -> memref<1x512xf32, #tpu.memory_space<hbm>>
      %dma_start3A_78 = tpu.memref_squeeze %dma_start3A_77 : memref<1x512xf32, #tpu.memory_space<hbm>> -> memref<512xf32, #tpu.memory_space<hbm>>
      %dma_start3A_79 = arith.constant 0 : i32
      %dma_start3A_80 = tpu.memref_slice %arg6[%dma_start3A_79] : memref<16384xf32, #tpu.memory_space<vmem>> -> memref<512xf32, #tpu.memory_space<vmem>>
      tpu.enqueue_dma source(%dma_start3A_80 : memref<512xf32, #tpu.memory_space<vmem>>) target(%dma_start3A_78 : memref<512xf32, #tpu.memory_space<hbm>>) target_semaphore(%run_scoped3A_71 : memref<!tpu.dma_semaphore, #tpu.memory_space<semaphore_mem>>)
      %dma_wait3A = arith.constant 0 : i32
      %dma_wait3A_81 = tpu.memref_slice %arg6[%dma_wait3A] : memref<16384xf32, #tpu.memory_space<vmem>> -> memref<512xf32, #tpu.memory_space<vmem>>
      %dma_wait3A_82 = arith.constant 0 : i32
      %dma_wait3A_83 = tpu.memref_slice %arg3[%add3A_8, %dma_wait3A_82] : memref<512x512xf32, #tpu.memory_space<hbm>> -> memref<1x512xf32, #tpu.memory_space<hbm>>
      %dma_wait3A_84 = tpu.memref_squeeze %dma_wait3A_83 : memref<1x512xf32, #tpu.memory_space<hbm>> -> memref<512xf32, #tpu.memory_space<hbm>>
      %dma_wait3A_85 = arith.constant 0 : i32
      %dma_wait3A_86 = tpu.memref_slice %arg3[%add3A_8, %dma_wait3A_85] : memref<512x512xf32, #tpu.memory_space<hbm>> -> memref<1x512xf32, #tpu.memory_space<hbm>>
      %dma_wait3A_87 = tpu.memref_squeeze %dma_wait3A_86 : memref<1x512xf32, #tpu.memory_space<hbm>> -> memref<512xf32, #tpu.memory_space<hbm>>
      %dma_wait3A_88 = arith.constant 0 : i32
      %dma_wait3A_89 = tpu.memref_slice %arg6[%dma_wait3A_88] : memref<16384xf32, #tpu.memory_space<vmem>> -> memref<512xf32, #tpu.memory_space<vmem>>
      tpu.wait_dma2 semaphore(%run_scoped3A_71 : memref<!tpu.dma_semaphore, #tpu.memory_space<semaphore_mem>>) src(%dma_wait3A_89 : memref<512xf32, #tpu.memory_space<vmem>>) dst(%dma_wait3A_87 : memref<512xf32, #tpu.memory_space<hbm>>)
      tpu.yield
    }) : () -> ()
    %add3A_9 = arith.constant 1 : i32
    %add3A_10 = arith.addi %mul3A_0, %add3A_9 : i32
    "tpu.region"() ({
      %run_scoped3A_71 = tpu.sem_alloc : memref<!tpu.dma_semaphore, #tpu.memory_space<semaphore_mem>>
      %dma_start3A = arith.constant 512 : i32
      %dma_start3A_72 = tpu.memref_slice %arg6[%dma_start3A] : memref<16384xf32, #tpu.memory_space<vmem>> -> memref<512xf32, #tpu.memory_space<vmem>>
      %dma_start3A_73 = arith.constant 0 : i32
      %dma_start3A_74 = tpu.memref_slice %arg3[%add3A_10, %dma_start3A_73] : memref<512x512xf32, #tpu.memory_space<hbm>> -> memref<1x512xf32, #tpu.memory_space<hbm>>
      %dma_start3A_75 = tpu.memref_squeeze %dma_start3A_74 : memref<1x512xf32, #tpu.memory_space<hbm>> -> memref<512xf32, #tpu.memory_space<hbm>>
      %dma_start3A_76 = arith.constant 0 : i32
      %dma_start3A_77 = tpu.memref_slice %arg3[%add3A_10, %dma_start3A_76] : memref<512x512xf32, #tpu.memory_space<hbm>> -> memref<1x512xf32, #tpu.memory_space<hbm>>
      %dma_start3A_78 = tpu.memref_squeeze %dma_start3A_77 : memref<1x512xf32, #tpu.memory_space<hbm>> -> memref<512xf32, #tpu.memory_space<hbm>>
      %dma_start3A_79 = arith.constant 512 : i32
      %dma_start3A_80 = tpu.memref_slice %arg6[%dma_start3A_79] : memref<16384xf32, #tpu.memory_space<vmem>> -> memref<512xf32, #tpu.memory_space<vmem>>
      tpu.enqueue_dma source(%dma_start3A_80 : memref<512xf32, #tpu.memory_space<vmem>>) target(%dma_start3A_78 : memref<512xf32, #tpu.memory_space<hbm>>) target_semaphore(%run_scoped3A_71 : memref<!tpu.dma_semaphore, #tpu.memory_space<semaphore_mem>>)
      %dma_wait3A = arith.constant 512 : i32
      %dma_wait3A_81 = tpu.memref_slice %arg6[%dma_wait3A] : memref<16384xf32, #tpu.memory_space<vmem>> -> memref<512xf32, #tpu.memory_space<vmem>>
      %dma_wait3A_82 = arith.constant 0 : i32
      %dma_wait3A_83 = tpu.memref_slice %arg3[%add3A_10, %dma_wait3A_82] : memref<512x512xf32, #tpu.memory_space<hbm>> -> memref<1x512xf32, #tpu.memory_space<hbm>>
      %dma_wait3A_84 = tpu.memref_squeeze %dma_wait3A_83 : memref<1x512xf32, #tpu.memory_space<hbm>> -> memref<512xf32, #tpu.memory_space<hbm>>
      %dma_wait3A_85 = arith.constant 0 : i32
      %dma_wait3A_86 = tpu.memref_slice %arg3[%add3A_10, %dma_wait3A_85] : memref<512x512xf32, #tpu.memory_space<hbm>> -> memref<1x512xf32, #tpu.memory_space<hbm>>
      %dma_wait3A_87 = tpu.memref_squeeze %dma_wait3A_86 : memref<1x512xf32, #tpu.memory_space<hbm>> -> memref<512xf32, #tpu.memory_space<hbm>>
      %dma_wait3A_88 = arith.constant 512 : i32
      %dma_wait3A_89 = tpu.memref_slice %arg6[%dma_wait3A_88] : memref<16384xf32, #tpu.memory_space<vmem>> -> memref<512xf32, #tpu.memory_space<vmem>>
      tpu.wait_dma2 semaphore(%run_scoped3A_71 : memref<!tpu.dma_semaphore, #tpu.memory_space<semaphore_mem>>) src(%dma_wait3A_89 : memref<512xf32, #tpu.memory_space<vmem>>) dst(%dma_wait3A_87 : memref<512xf32, #tpu.memory_space<hbm>>)
      tpu.yield
    }) : () -> ()
    %add3A_11 = arith.constant 2 : i32
    %add3A_12 = arith.addi %mul3A_0, %add3A_11 : i32
    "tpu.region"() ({
      %run_scoped3A_71 = tpu.sem_alloc : memref<!tpu.dma_semaphore, #tpu.memory_space<semaphore_mem>>
      %dma_start3A = arith.constant 1024 : i32
      %dma_start3A_72 = tpu.memref_slice %arg6[%dma_start3A] : memref<16384xf32, #tpu.memory_space<vmem>> -> memref<512xf32, #tpu.memory_space<vmem>>
      %dma_start3A_73 = arith.constant 0 : i32
      %dma_start3A_74 = tpu.memref_slice %arg3[%add3A_12, %dma_start3A_73] : memref<512x512xf32, #tpu.memory_space<hbm>> -> memref<1x512xf32, #tpu.memory_space<hbm>>
      %dma_start3A_75 = tpu.memref_squeeze %dma_start3A_74 : memref<1x512xf32, #tpu.memory_space<hbm>> -> memref<512xf32, #tpu.memory_space<hbm>>
      %dma_start3A_76 = arith.constant 0 : i32
      %dma_start3A_77 = tpu.memref_slice %arg3[%add3A_12, %dma_start3A_76] : memref<512x512xf32, #tpu.memory_space<hbm>> -> memref<1x512xf32, #tpu.memory_space<hbm>>
      %dma_start3A_78 = tpu.memref_squeeze %dma_start3A_77 : memref<1x512xf32, #tpu.memory_space<hbm>> -> memref<512xf32, #tpu.memory_space<hbm>>
      %dma_start3A_79 = arith.constant 1024 : i32
      %dma_start3A_80 = tpu.memref_slice %arg6[%dma_start3A_79] : memref<16384xf32, #tpu.memory_space<vmem>> -> memref<512xf32, #tpu.memory_space<vmem>>
      tpu.enqueue_dma source(%dma_start3A_80 : memref<512xf32, #tpu.memory_space<vmem>>) target(%dma_start3A_78 : memref<512xf32, #tpu.memory_space<hbm>>) target_semaphore(%run_scoped3A_71 : memref<!tpu.dma_semaphore, #tpu.memory_space<semaphore_mem>>)
      %dma_wait3A = arith.constant 1024 : i32
      %dma_wait3A_81 = tpu.memref_slice %arg6[%dma_wait3A] : memref<16384xf32, #tpu.memory_space<vmem>> -> memref<512xf32, #tpu.memory_space<vmem>>
      %dma_wait3A_82 = arith.constant 0 : i32
      %dma_wait3A_83 = tpu.memref_slice %arg3[%add3A_12, %dma_wait3A_82] : memref<512x512xf32, #tpu.memory_space<hbm>> -> memref<1x512xf32, #tpu.memory_space<hbm>>
      %dma_wait3A_84 = tpu.memref_squeeze %dma_wait3A_83 : memref<1x512xf32, #tpu.memory_space<hbm>> -> memref<512xf32, #tpu.memory_space<hbm>>
      %dma_wait3A_85 = arith.constant 0 : i32
      %dma_wait3A_86 = tpu.memref_slice %arg3[%add3A_12, %dma_wait3A_85] : memref<512x512xf32, #tpu.memory_space<hbm>> -> memref<1x512xf32, #tpu.memory_space<hbm>>
      %dma_wait3A_87 = tpu.memref_squeeze %dma_wait3A_86 : memref<1x512xf32, #tpu.memory_space<hbm>> -> memref<512xf32, #tpu.memory_space<hbm>>
      %dma_wait3A_88 = arith.constant 1024 : i32
      %dma_wait3A_89 = tpu.memref_slice %arg6[%dma_wait3A_88] : memref<16384xf32, #tpu.memory_space<vmem>> -> memref<512xf32, #tpu.memory_space<vmem>>
      tpu.wait_dma2 semaphore(%run_scoped3A_71 : memref<!tpu.dma_semaphore, #tpu.memory_space<semaphore_mem>>) src(%dma_wait3A_89 : memref<512xf32, #tpu.memory_space<vmem>>) dst(%dma_wait3A_87 : memref<512xf32, #tpu.memory_space<hbm>>)
      tpu.yield
    }) : () -> ()
    %add3A_13 = arith.constant 3 : i32
    %add3A_14 = arith.addi %mul3A_0, %add3A_13 : i32
    "tpu.region"() ({
      %run_scoped3A_71 = tpu.sem_alloc : memref<!tpu.dma_semaphore, #tpu.memory_space<semaphore_mem>>
      %dma_start3A = arith.constant 1536 : i32
      %dma_start3A_72 = tpu.memref_slice %arg6[%dma_start3A] : memref<16384xf32, #tpu.memory_space<vmem>> -> memref<512xf32, #tpu.memory_space<vmem>>
      %dma_start3A_73 = arith.constant 0 : i32
      %dma_start3A_74 = tpu.memref_slice %arg3[%add3A_14, %dma_start3A_73] : memref<512x512xf32, #tpu.memory_space<hbm>> -> memref<1x512xf32, #tpu.memory_space<hbm>>
      %dma_start3A_75 = tpu.memref_squeeze %dma_start3A_74 : memref<1x512xf32, #tpu.memory_space<hbm>> -> memref<512xf32, #tpu.memory_space<hbm>>
      %dma_start3A_76 = arith.constant 0 : i32
      %dma_start3A_77 = tpu.memref_slice %arg3[%add3A_14, %dma_start3A_76] : memref<512x512xf32, #tpu.memory_space<hbm>> -> memref<1x512xf32, #tpu.memory_space<hbm>>
      %dma_start3A_78 = tpu.memref_squeeze %dma_start3A_77 : memref<1x512xf32, #tpu.memory_space<hbm>> -> memref<512xf32, #tpu.memory_space<hbm>>
      %dma_start3A_79 = arith.constant 1536 : i32
      %dma_start3A_80 = tpu.memref_slice %arg6[%dma_start3A_79] : memref<16384xf32, #tpu.memory_space<vmem>> -> memref<512xf32, #tpu.memory_space<vmem>>
      tpu.enqueue_dma source(%dma_start3A_80 : memref<512xf32, #tpu.memory_space<vmem>>) target(%dma_start3A_78 : memref<512xf32, #tpu.memory_space<hbm>>) target_semaphore(%run_scoped3A_71 : memref<!tpu.dma_semaphore, #tpu.memory_space<semaphore_mem>>)
      %dma_wait3A = arith.constant 1536 : i32
      %dma_wait3A_81 = tpu.memref_slice %arg6[%dma_wait3A] : memref<16384xf32, #tpu.memory_space<vmem>> -> memref<512xf32, #tpu.memory_space<vmem>>
      %dma_wait3A_82 = arith.constant 0 : i32
      %dma_wait3A_83 = tpu.memref_slice %arg3[%add3A_14, %dma_wait3A_82] : memref<512x512xf32, #tpu.memory_space<hbm>> -> memref<1x512xf32, #tpu.memory_space<hbm>>
      %dma_wait3A_84 = tpu.memref_squeeze %dma_wait3A_83 : memref<1x512xf32, #tpu.memory_space<hbm>> -> memref<512xf32, #tpu.memory_space<hbm>>
      %dma_wait3A_85 = arith.constant 0 : i32
      %dma_wait3A_86 = tpu.memref_slice %arg3[%add3A_14, %dma_wait3A_85] : memref<512x512xf32, #tpu.memory_space<hbm>> -> memref<1x512xf32, #tpu.memory_space<hbm>>
      %dma_wait3A_87 = tpu.memref_squeeze %dma_wait3A_86 : memref<1x512xf32, #tpu.memory_space<hbm>> -> memref<512xf32, #tpu.memory_space<hbm>>
      %dma_wait3A_88 = arith.constant 1536 : i32
      %dma_wait3A_89 = tpu.memref_slice %arg6[%dma_wait3A_88] : memref<16384xf32, #tpu.memory_space<vmem>> -> memref<512xf32, #tpu.memory_space<vmem>>
      tpu.wait_dma2 semaphore(%run_scoped3A_71 : memref<!tpu.dma_semaphore, #tpu.memory_space<semaphore_mem>>) src(%dma_wait3A_89 : memref<512xf32, #tpu.memory_space<vmem>>) dst(%dma_wait3A_87 : memref<512xf32, #tpu.memory_space<hbm>>)
      tpu.yield
    }) : () -> ()
    %add3A_15 = arith.constant 4 : i32
    %add3A_16 = arith.addi %mul3A_0, %add3A_15 : i32
    "tpu.region"() ({
      %run_scoped3A_71 = tpu.sem_alloc : memref<!tpu.dma_semaphore, #tpu.memory_space<semaphore_mem>>
      %dma_start3A = arith.constant 2048 : i32
      %dma_start3A_72 = tpu.memref_slice %arg6[%dma_start3A] : memref<16384xf32, #tpu.memory_space<vmem>> -> memref<512xf32, #tpu.memory_space<vmem>>
      %dma_start3A_73 = arith.constant 0 : i32
      %dma_start3A_74 = tpu.memref_slice %arg3[%add3A_16, %dma_start3A_73] : memref<512x512xf32, #tpu.memory_space<hbm>> -> memref<1x512xf32, #tpu.memory_space<hbm>>
      %dma_start3A_75 = tpu.memref_squeeze %dma_start3A_74 : memref<1x512xf32, #tpu.memory_space<hbm>> -> memref<512xf32, #tpu.memory_space<hbm>>
      %dma_start3A_76 = arith.constant 0 : i32
      %dma_start3A_77 = tpu.memref_slice %arg3[%add3A_16, %dma_start3A_76] : memref<512x512xf32, #tpu.memory_space<hbm>> -> memref<1x512xf32, #tpu.memory_space<hbm>>
      %dma_start3A_78 = tpu.memref_squeeze %dma_start3A_77 : memref<1x512xf32, #tpu.memory_space<hbm>> -> memref<512xf32, #tpu.memory_space<hbm>>
      %dma_start3A_79 = arith.constant 2048 : i32
      %dma_start3A_80 = tpu.memref_slice %arg6[%dma_start3A_79] : memref<16384xf32, #tpu.memory_space<vmem>> -> memref<512xf32, #tpu.memory_space<vmem>>
      tpu.enqueue_dma source(%dma_start3A_80 : memref<512xf32, #tpu.memory_space<vmem>>) target(%dma_start3A_78 : memref<512xf32, #tpu.memory_space<hbm>>) target_semaphore(%run_scoped3A_71 : memref<!tpu.dma_semaphore, #tpu.memory_space<semaphore_mem>>)
      %dma_wait3A = arith.constant 2048 : i32
      %dma_wait3A_81 = tpu.memref_slice %arg6[%dma_wait3A] : memref<16384xf32, #tpu.memory_space<vmem>> -> memref<512xf32, #tpu.memory_space<vmem>>
      %dma_wait3A_82 = arith.constant 0 : i32
      %dma_wait3A_83 = tpu.memref_slice %arg3[%add3A_16, %dma_wait3A_82] : memref<512x512xf32, #tpu.memory_space<hbm>> -> memref<1x512xf32, #tpu.memory_space<hbm>>
      %dma_wait3A_84 = tpu.memref_squeeze %dma_wait3A_83 : memref<1x512xf32, #tpu.memory_space<hbm>> -> memref<512xf32, #tpu.memory_space<hbm>>
      %dma_wait3A_85 = arith.constant 0 : i32
      %dma_wait3A_86 = tpu.memref_slice %arg3[%add3A_16, %dma_wait3A_85] : memref<512x512xf32, #tpu.memory_space<hbm>> -> memref<1x512xf32, #tpu.memory_space<hbm>>
      %dma_wait3A_87 = tpu.memref_squeeze %dma_wait3A_86 : memref<1x512xf32, #tpu.memory_space<hbm>> -> memref<512xf32, #tpu.memory_space<hbm>>
      %dma_wait3A_88 = arith.constant 2048 : i32
      %dma_wait3A_89 = tpu.memref_slice %arg6[%dma_wait3A_88] : memref<16384xf32, #tpu.memory_space<vmem>> -> memref<512xf32, #tpu.memory_space<vmem>>
      tpu.wait_dma2 semaphore(%run_scoped3A_71 : memref<!tpu.dma_semaphore, #tpu.memory_space<semaphore_mem>>) src(%dma_wait3A_89 : memref<512xf32, #tpu.memory_space<vmem>>) dst(%dma_wait3A_87 : memref<512xf32, #tpu.memory_space<hbm>>)
      tpu.yield
    }) : () -> ()
    %add3A_17 = arith.constant 5 : i32
    %add3A_18 = arith.addi %mul3A_0, %add3A_17 : i32
    "tpu.region"() ({
      %run_scoped3A_71 = tpu.sem_alloc : memref<!tpu.dma_semaphore, #tpu.memory_space<semaphore_mem>>
      %dma_start3A = arith.constant 2560 : i32
      %dma_start3A_72 = tpu.memref_slice %arg6[%dma_start3A] : memref<16384xf32, #tpu.memory_space<vmem>> -> memref<512xf32, #tpu.memory_space<vmem>>
      %dma_start3A_73 = arith.constant 0 : i32
      %dma_start3A_74 = tpu.memref_slice %arg3[%add3A_18, %dma_start3A_73] : memref<512x512xf32, #tpu.memory_space<hbm>> -> memref<1x512xf32, #tpu.memory_space<hbm>>
      %dma_start3A_75 = tpu.memref_squeeze %dma_start3A_74 : memref<1x512xf32, #tpu.memory_space<hbm>> -> memref<512xf32, #tpu.memory_space<hbm>>
      %dma_start3A_76 = arith.constant 0 : i32
      %dma_start3A_77 = tpu.memref_slice %arg3[%add3A_18, %dma_start3A_76] : memref<512x512xf32, #tpu.memory_space<hbm>> -> memref<1x512xf32, #tpu.memory_space<hbm>>
      %dma_start3A_78 = tpu.memref_squeeze %dma_start3A_77 : memref<1x512xf32, #tpu.memory_space<hbm>> -> memref<512xf32, #tpu.memory_space<hbm>>
      %dma_start3A_79 = arith.constant 2560 : i32
      %dma_start3A_80 = tpu.memref_slice %arg6[%dma_start3A_79] : memref<16384xf32, #tpu.memory_space<vmem>> -> memref<512xf32, #tpu.memory_space<vmem>>
      tpu.enqueue_dma source(%dma_start3A_80 : memref<512xf32, #tpu.memory_space<vmem>>) target(%dma_start3A_78 : memref<512xf32, #tpu.memory_space<hbm>>) target_semaphore(%run_scoped3A_71 : memref<!tpu.dma_semaphore, #tpu.memory_space<semaphore_mem>>)
      %dma_wait3A = arith.constant 2560 : i32
      %dma_wait3A_81 = tpu.memref_slice %arg6[%dma_wait3A] : memref<16384xf32, #tpu.memory_space<vmem>> -> memref<512xf32, #tpu.memory_space<vmem>>
      %dma_wait3A_82 = arith.constant 0 : i32
      %dma_wait3A_83 = tpu.memref_slice %arg3[%add3A_18, %dma_wait3A_82] : memref<512x512xf32, #tpu.memory_space<hbm>> -> memref<1x512xf32, #tpu.memory_space<hbm>>
      %dma_wait3A_84 = tpu.memref_squeeze %dma_wait3A_83 : memref<1x512xf32, #tpu.memory_space<hbm>> -> memref<512xf32, #tpu.memory_space<hbm>>
      %dma_wait3A_85 = arith.constant 0 : i32
      %dma_wait3A_86 = tpu.memref_slice %arg3[%add3A_18, %dma_wait3A_85] : memref<512x512xf32, #tpu.memory_space<hbm>> -> memref<1x512xf32, #tpu.memory_space<hbm>>
      %dma_wait3A_87 = tpu.memref_squeeze %dma_wait3A_86 : memref<1x512xf32, #tpu.memory_space<hbm>> -> memref<512xf32, #tpu.memory_space<hbm>>
      %dma_wait3A_88 = arith.constant 2560 : i32
      %dma_wait3A_89 = tpu.memref_slice %arg6[%dma_wait3A_88] : memref<16384xf32, #tpu.memory_space<vmem>> -> memref<512xf32, #tpu.memory_space<vmem>>
      tpu.wait_dma2 semaphore(%run_scoped3A_71 : memref<!tpu.dma_semaphore, #tpu.memory_space<semaphore_mem>>) src(%dma_wait3A_89 : memref<512xf32, #tpu.memory_space<vmem>>) dst(%dma_wait3A_87 : memref<512xf32, #tpu.memory_space<hbm>>)
      tpu.yield
    }) : () -> ()
    %add3A_19 = arith.constant 6 : i32
    %add3A_20 = arith.addi %mul3A_0, %add3A_19 : i32
    "tpu.region"() ({
      %run_scoped3A_71 = tpu.sem_alloc : memref<!tpu.dma_semaphore, #tpu.memory_space<semaphore_mem>>
      %dma_start3A = arith.constant 3072 : i32
      %dma_start3A_72 = tpu.memref_slice %arg6[%dma_start3A] : memref<16384xf32, #tpu.memory_space<vmem>> -> memref<512xf32, #tpu.memory_space<vmem>>
      %dma_start3A_73 = arith.constant 0 : i32
      %dma_start3A_74 = tpu.memref_slice %arg3[%add3A_20, %dma_start3A_73] : memref<512x512xf32, #tpu.memory_space<hbm>> -> memref<1x512xf32, #tpu.memory_space<hbm>>
      %dma_start3A_75 = tpu.memref_squeeze %dma_start3A_74 : memref<1x512xf32, #tpu.memory_space<hbm>> -> memref<512xf32, #tpu.memory_space<hbm>>
      %dma_start3A_76 = arith.constant 0 : i32
      %dma_start3A_77 = tpu.memref_slice %arg3[%add3A_20, %dma_start3A_76] : memref<512x512xf32, #tpu.memory_space<hbm>> -> memref<1x512xf32, #tpu.memory_space<hbm>>
      %dma_start3A_78 = tpu.memref_squeeze %dma_start3A_77 : memref<1x512xf32, #tpu.memory_space<hbm>> -> memref<512xf32, #tpu.memory_space<hbm>>
      %dma_start3A_79 = arith.constant 3072 : i32
      %dma_start3A_80 = tpu.memref_slice %arg6[%dma_start3A_79] : memref<16384xf32, #tpu.memory_space<vmem>> -> memref<512xf32, #tpu.memory_space<vmem>>
      tpu.enqueue_dma source(%dma_start3A_80 : memref<512xf32, #tpu.memory_space<vmem>>) target(%dma_start3A_78 : memref<512xf32, #tpu.memory_space<hbm>>) target_semaphore(%run_scoped3A_71 : memref<!tpu.dma_semaphore, #tpu.memory_space<semaphore_mem>>)
      %dma_wait3A = arith.constant 3072 : i32
      %dma_wait3A_81 = tpu.memref_slice %arg6[%dma_wait3A] : memref<16384xf32, #tpu.memory_space<vmem>> -> memref<512xf32, #tpu.memory_space<vmem>>
      %dma_wait3A_82 = arith.constant 0 : i32
      %dma_wait3A_83 = tpu.memref_slice %arg3[%add3A_20, %dma_wait3A_82] : memref<512x512xf32, #tpu.memory_space<hbm>> -> memref<1x512xf32, #tpu.memory_space<hbm>>
      %dma_wait3A_84 = tpu.memref_squeeze %dma_wait3A_83 : memref<1x512xf32, #tpu.memory_space<hbm>> -> memref<512xf32, #tpu.memory_space<hbm>>
      %dma_wait3A_85 = arith.constant 0 : i32
      %dma_wait3A_86 = tpu.memref_slice %arg3[%add3A_20, %dma_wait3A_85] : memref<512x512xf32, #tpu.memory_space<hbm>> -> memref<1x512xf32, #tpu.memory_space<hbm>>
      %dma_wait3A_87 = tpu.memref_squeeze %dma_wait3A_86 : memref<1x512xf32, #tpu.memory_space<hbm>> -> memref<512xf32, #tpu.memory_space<hbm>>
      %dma_wait3A_88 = arith.constant 3072 : i32
      %dma_wait3A_89 = tpu.memref_slice %arg6[%dma_wait3A_88] : memref<16384xf32, #tpu.memory_space<vmem>> -> memref<512xf32, #tpu.memory_space<vmem>>
      tpu.wait_dma2 semaphore(%run_scoped3A_71 : memref<!tpu.dma_semaphore, #tpu.memory_space<semaphore_mem>>) src(%dma_wait3A_89 : memref<512xf32, #tpu.memory_space<vmem>>) dst(%dma_wait3A_87 : memref<512xf32, #tpu.memory_space<hbm>>)
      tpu.yield
    }) : () -> ()
    %add3A_21 = arith.constant 7 : i32
    %add3A_22 = arith.addi %mul3A_0, %add3A_21 : i32
    "tpu.region"() ({
      %run_scoped3A_71 = tpu.sem_alloc : memref<!tpu.dma_semaphore, #tpu.memory_space<semaphore_mem>>
      %dma_start3A = arith.constant 3584 : i32
      %dma_start3A_72 = tpu.memref_slice %arg6[%dma_start3A] : memref<16384xf32, #tpu.memory_space<vmem>> -> memref<512xf32, #tpu.memory_space<vmem>>
      %dma_start3A_73 = arith.constant 0 : i32
      %dma_start3A_74 = tpu.memref_slice %arg3[%add3A_22, %dma_start3A_73] : memref<512x512xf32, #tpu.memory_space<hbm>> -> memref<1x512xf32, #tpu.memory_space<hbm>>
      %dma_start3A_75 = tpu.memref_squeeze %dma_start3A_74 : memref<1x512xf32, #tpu.memory_space<hbm>> -> memref<512xf32, #tpu.memory_space<hbm>>
      %dma_start3A_76 = arith.constant 0 : i32
      %dma_start3A_77 = tpu.memref_slice %arg3[%add3A_22, %dma_start3A_76] : memref<512x512xf32, #tpu.memory_space<hbm>> -> memref<1x512xf32, #tpu.memory_space<hbm>>
      %dma_start3A_78 = tpu.memref_squeeze %dma_start3A_77 : memref<1x512xf32, #tpu.memory_space<hbm>> -> memref<512xf32, #tpu.memory_space<hbm>>
      %dma_start3A_79 = arith.constant 3584 : i32
      %dma_start3A_80 = tpu.memref_slice %arg6[%dma_start3A_79] : memref<16384xf32, #tpu.memory_space<vmem>> -> memref<512xf32, #tpu.memory_space<vmem>>
      tpu.enqueue_dma source(%dma_start3A_80 : memref<512xf32, #tpu.memory_space<vmem>>) target(%dma_start3A_78 : memref<512xf32, #tpu.memory_space<hbm>>) target_semaphore(%run_scoped3A_71 : memref<!tpu.dma_semaphore, #tpu.memory_space<semaphore_mem>>)
      %dma_wait3A = arith.constant 3584 : i32
      %dma_wait3A_81 = tpu.memref_slice %arg6[%dma_wait3A] : memref<16384xf32, #tpu.memory_space<vmem>> -> memref<512xf32, #tpu.memory_space<vmem>>
      %dma_wait3A_82 = arith.constant 0 : i32
      %dma_wait3A_83 = tpu.memref_slice %arg3[%add3A_22, %dma_wait3A_82] : memref<512x512xf32, #tpu.memory_space<hbm>> -> memref<1x512xf32, #tpu.memory_space<hbm>>
      %dma_wait3A_84 = tpu.memref_squeeze %dma_wait3A_83 : memref<1x512xf32, #tpu.memory_space<hbm>> -> memref<512xf32, #tpu.memory_space<hbm>>
      %dma_wait3A_85 = arith.constant 0 : i32
      %dma_wait3A_86 = tpu.memref_slice %arg3[%add3A_22, %dma_wait3A_85] : memref<512x512xf32, #tpu.memory_space<hbm>> -> memref<1x512xf32, #tpu.memory_space<hbm>>
      %dma_wait3A_87 = tpu.memref_squeeze %dma_wait3A_86 : memref<1x512xf32, #tpu.memory_space<hbm>> -> memref<512xf32, #tpu.memory_space<hbm>>
      %dma_wait3A_88 = arith.constant 3584 : i32
      %dma_wait3A_89 = tpu.memref_slice %arg6[%dma_wait3A_88] : memref<16384xf32, #tpu.memory_space<vmem>> -> memref<512xf32, #tpu.memory_space<vmem>>
      tpu.wait_dma2 semaphore(%run_scoped3A_71 : memref<!tpu.dma_semaphore, #tpu.memory_space<semaphore_mem>>) src(%dma_wait3A_89 : memref<512xf32, #tpu.memory_space<vmem>>) dst(%dma_wait3A_87 : memref<512xf32, #tpu.memory_space<hbm>>)
      tpu.yield
    }) : () -> ()
    %add3A_23 = arith.constant 8 : i32
    %add3A_24 = arith.addi %mul3A_0, %add3A_23 : i32
    "tpu.region"() ({
      %run_scoped3A_71 = tpu.sem_alloc : memref<!tpu.dma_semaphore, #tpu.memory_space<semaphore_mem>>
      %dma_start3A = arith.constant 4096 : i32
      %dma_start3A_72 = tpu.memref_slice %arg6[%dma_start3A] : memref<16384xf32, #tpu.memory_space<vmem>> -> memref<512xf32, #tpu.memory_space<vmem>>
      %dma_start3A_73 = arith.constant 0 : i32
      %dma_start3A_74 = tpu.memref_slice %arg3[%add3A_24, %dma_start3A_73] : memref<512x512xf32, #tpu.memory_space<hbm>> -> memref<1x512xf32, #tpu.memory_space<hbm>>
      %dma_start3A_75 = tpu.memref_squeeze %dma_start3A_74 : memref<1x512xf32, #tpu.memory_space<hbm>> -> memref<512xf32, #tpu.memory_space<hbm>>
      %dma_start3A_76 = arith.constant 0 : i32
      %dma_start3A_77 = tpu.memref_slice %arg3[%add3A_24, %dma_start3A_76] : memref<512x512xf32, #tpu.memory_space<hbm>> -> memref<1x512xf32, #tpu.memory_space<hbm>>
      %dma_start3A_78 = tpu.memref_squeeze %dma_start3A_77 : memref<1x512xf32, #tpu.memory_space<hbm>> -> memref<512xf32, #tpu.memory_space<hbm>>
      %dma_start3A_79 = arith.constant 4096 : i32
      %dma_start3A_80 = tpu.memref_slice %arg6[%dma_start3A_79] : memref<16384xf32, #tpu.memory_space<vmem>> -> memref<512xf32, #tpu.memory_space<vmem>>
      tpu.enqueue_dma source(%dma_start3A_80 : memref<512xf32, #tpu.memory_space<vmem>>) target(%dma_start3A_78 : memref<512xf32, #tpu.memory_space<hbm>>) target_semaphore(%run_scoped3A_71 : memref<!tpu.dma_semaphore, #tpu.memory_space<semaphore_mem>>)
      %dma_wait3A = arith.constant 4096 : i32
      %dma_wait3A_81 = tpu.memref_slice %arg6[%dma_wait3A] : memref<16384xf32, #tpu.memory_space<vmem>> -> memref<512xf32, #tpu.memory_space<vmem>>
      %dma_wait3A_82 = arith.constant 0 : i32
      %dma_wait3A_83 = tpu.memref_slice %arg3[%add3A_24, %dma_wait3A_82] : memref<512x512xf32, #tpu.memory_space<hbm>> -> memref<1x512xf32, #tpu.memory_space<hbm>>
      %dma_wait3A_84 = tpu.memref_squeeze %dma_wait3A_83 : memref<1x512xf32, #tpu.memory_space<hbm>> -> memref<512xf32, #tpu.memory_space<hbm>>
      %dma_wait3A_85 = arith.constant 0 : i32
      %dma_wait3A_86 = tpu.memref_slice %arg3[%add3A_24, %dma_wait3A_85] : memref<512x512xf32, #tpu.memory_space<hbm>> -> memref<1x512xf32, #tpu.memory_space<hbm>>
      %dma_wait3A_87 = tpu.memref_squeeze %dma_wait3A_86 : memref<1x512xf32, #tpu.memory_space<hbm>> -> memref<512xf32, #tpu.memory_space<hbm>>
      %dma_wait3A_88 = arith.constant 4096 : i32
      %dma_wait3A_89 = tpu.memref_slice %arg6[%dma_wait3A_88] : memref<16384xf32, #tpu.memory_space<vmem>> -> memref<512xf32, #tpu.memory_space<vmem>>
      tpu.wait_dma2 semaphore(%run_scoped3A_71 : memref<!tpu.dma_semaphore, #tpu.memory_space<semaphore_mem>>) src(%dma_wait3A_89 : memref<512xf32, #tpu.memory_space<vmem>>) dst(%dma_wait3A_87 : memref<512xf32, #tpu.memory_space<hbm>>)
      tpu.yield
    }) : () -> ()
    %add3A_25 = arith.constant 9 : i32
    %add3A_26 = arith.addi %mul3A_0, %add3A_25 : i32
    "tpu.region"() ({
      %run_scoped3A_71 = tpu.sem_alloc : memref<!tpu.dma_semaphore, #tpu.memory_space<semaphore_mem>>
      %dma_start3A = arith.constant 4608 : i32
      %dma_start3A_72 = tpu.memref_slice %arg6[%dma_start3A] : memref<16384xf32, #tpu.memory_space<vmem>> -> memref<512xf32, #tpu.memory_space<vmem>>
      %dma_start3A_73 = arith.constant 0 : i32
      %dma_start3A_74 = tpu.memref_slice %arg3[%add3A_26, %dma_start3A_73] : memref<512x512xf32, #tpu.memory_space<hbm>> -> memref<1x512xf32, #tpu.memory_space<hbm>>
      %dma_start3A_75 = tpu.memref_squeeze %dma_start3A_74 : memref<1x512xf32, #tpu.memory_space<hbm>> -> memref<512xf32, #tpu.memory_space<hbm>>
      %dma_start3A_76 = arith.constant 0 : i32
      %dma_start3A_77 = tpu.memref_slice %arg3[%add3A_26, %dma_start3A_76] : memref<512x512xf32, #tpu.memory_space<hbm>> -> memref<1x512xf32, #tpu.memory_space<hbm>>
      %dma_start3A_78 = tpu.memref_squeeze %dma_start3A_77 : memref<1x512xf32, #tpu.memory_space<hbm>> -> memref<512xf32, #tpu.memory_space<hbm>>
      %dma_start3A_79 = arith.constant 4608 : i32
      %dma_start3A_80 = tpu.memref_slice %arg6[%dma_start3A_79] : memref<16384xf32, #tpu.memory_space<vmem>> -> memref<512xf32, #tpu.memory_space<vmem>>
      tpu.enqueue_dma source(%dma_start3A_80 : memref<512xf32, #tpu.memory_space<vmem>>) target(%dma_start3A_78 : memref<512xf32, #tpu.memory_space<hbm>>) target_semaphore(%run_scoped3A_71 : memref<!tpu.dma_semaphore, #tpu.memory_space<semaphore_mem>>)
      %dma_wait3A = arith.constant 4608 : i32
      %dma_wait3A_81 = tpu.memref_slice %arg6[%dma_wait3A] : memref<16384xf32, #tpu.memory_space<vmem>> -> memref<512xf32, #tpu.memory_space<vmem>>
      %dma_wait3A_82 = arith.constant 0 : i32
      %dma_wait3A_83 = tpu.memref_slice %arg3[%add3A_26, %dma_wait3A_82] : memref<512x512xf32, #tpu.memory_space<hbm>> -> memref<1x512xf32, #tpu.memory_space<hbm>>
      %dma_wait3A_84 = tpu.memref_squeeze %dma_wait3A_83 : memref<1x512xf32, #tpu.memory_space<hbm>> -> memref<512xf32, #tpu.memory_space<hbm>>
      %dma_wait3A_85 = arith.constant 0 : i32
      %dma_wait3A_86 = tpu.memref_slice %arg3[%add3A_26, %dma_wait3A_85] : memref<512x512xf32, #tpu.memory_space<hbm>> -> memref<1x512xf32, #tpu.memory_space<hbm>>
      %dma_wait3A_87 = tpu.memref_squeeze %dma_wait3A_86 : memref<1x512xf32, #tpu.memory_space<hbm>> -> memref<512xf32, #tpu.memory_space<hbm>>
      %dma_wait3A_88 = arith.constant 4608 : i32
      %dma_wait3A_89 = tpu.memref_slice %arg6[%dma_wait3A_88] : memref<16384xf32, #tpu.memory_space<vmem>> -> memref<512xf32, #tpu.memory_space<vmem>>
      tpu.wait_dma2 semaphore(%run_scoped3A_71 : memref<!tpu.dma_semaphore, #tpu.memory_space<semaphore_mem>>) src(%dma_wait3A_89 : memref<512xf32, #tpu.memory_space<vmem>>) dst(%dma_wait3A_87 : memref<512xf32, #tpu.memory_space<hbm>>)
      tpu.yield
    }) : () -> ()
    %add3A_27 = arith.constant 10 : i32
    %add3A_28 = arith.addi %mul3A_0, %add3A_27 : i32
    "tpu.region"() ({
      %run_scoped3A_71 = tpu.sem_alloc : memref<!tpu.dma_semaphore, #tpu.memory_space<semaphore_mem>>
      %dma_start3A = arith.constant 5120 : i32
      %dma_start3A_72 = tpu.memref_slice %arg6[%dma_start3A] : memref<16384xf32, #tpu.memory_space<vmem>> -> memref<512xf32, #tpu.memory_space<vmem>>
      %dma_start3A_73 = arith.constant 0 : i32
      %dma_start3A_74 = tpu.memref_slice %arg3[%add3A_28, %dma_start3A_73] : memref<512x512xf32, #tpu.memory_space<hbm>> -> memref<1x512xf32, #tpu.memory_space<hbm>>
      %dma_start3A_75 = tpu.memref_squeeze %dma_start3A_74 : memref<1x512xf32, #tpu.memory_space<hbm>> -> memref<512xf32, #tpu.memory_space<hbm>>
      %dma_start3A_76 = arith.constant 0 : i32
      %dma_start3A_77 = tpu.memref_slice %arg3[%add3A_28, %dma_start3A_76] : memref<512x512xf32, #tpu.memory_space<hbm>> -> memref<1x512xf32, #tpu.memory_space<hbm>>
      %dma_start3A_78 = tpu.memref_squeeze %dma_start3A_77 : memref<1x512xf32, #tpu.memory_space<hbm>> -> memref<512xf32, #tpu.memory_space<hbm>>
      %dma_start3A_79 = arith.constant 5120 : i32
      %dma_start3A_80 = tpu.memref_slice %arg6[%dma_start3A_79] : memref<16384xf32, #tpu.memory_space<vmem>> -> memref<512xf32, #tpu.memory_space<vmem>>
      tpu.enqueue_dma source(%dma_start3A_80 : memref<512xf32, #tpu.memory_space<vmem>>) target(%dma_start3A_78 : memref<512xf32, #tpu.memory_space<hbm>>) target_semaphore(%run_scoped3A_71 : memref<!tpu.dma_semaphore, #tpu.memory_space<semaphore_mem>>)
      %dma_wait3A = arith.constant 5120 : i32
      %dma_wait3A_81 = tpu.memref_slice %arg6[%dma_wait3A] : memref<16384xf32, #tpu.memory_space<vmem>> -> memref<512xf32, #tpu.memory_space<vmem>>
      %dma_wait3A_82 = arith.constant 0 : i32
      %dma_wait3A_83 = tpu.memref_slice %arg3[%add3A_28, %dma_wait3A_82] : memref<512x512xf32, #tpu.memory_space<hbm>> -> memref<1x512xf32, #tpu.memory_space<hbm>>
      %dma_wait3A_84 = tpu.memref_squeeze %dma_wait3A_83 : memref<1x512xf32, #tpu.memory_space<hbm>> -> memref<512xf32, #tpu.memory_space<hbm>>
      %dma_wait3A_85 = arith.constant 0 : i32
      %dma_wait3A_86 = tpu.memref_slice %arg3[%add3A_28, %dma_wait3A_85] : memref<512x512xf32, #tpu.memory_space<hbm>> -> memref<1x512xf32, #tpu.memory_space<hbm>>
      %dma_wait3A_87 = tpu.memref_squeeze %dma_wait3A_86 : memref<1x512xf32, #tpu.memory_space<hbm>> -> memref<512xf32, #tpu.memory_space<hbm>>
      %dma_wait3A_88 = arith.constant 5120 : i32
      %dma_wait3A_89 = tpu.memref_slice %arg6[%dma_wait3A_88] : memref<16384xf32, #tpu.memory_space<vmem>> -> memref<512xf32, #tpu.memory_space<vmem>>
      tpu.wait_dma2 semaphore(%run_scoped3A_71 : memref<!tpu.dma_semaphore, #tpu.memory_space<semaphore_mem>>) src(%dma_wait3A_89 : memref<512xf32, #tpu.memory_space<vmem>>) dst(%dma_wait3A_87 : memref<512xf32, #tpu.memory_space<hbm>>)
      tpu.yield
    }) : () -> ()
    %add3A_29 = arith.constant 11 : i32
    %add3A_30 = arith.addi %mul3A_0, %add3A_29 : i32
    "tpu.region"() ({
      %run_scoped3A_71 = tpu.sem_alloc : memref<!tpu.dma_semaphore, #tpu.memory_space<semaphore_mem>>
      %dma_start3A = arith.constant 5632 : i32
      %dma_start3A_72 = tpu.memref_slice %arg6[%dma_start3A] : memref<16384xf32, #tpu.memory_space<vmem>> -> memref<512xf32, #tpu.memory_space<vmem>>
      %dma_start3A_73 = arith.constant 0 : i32
      %dma_start3A_74 = tpu.memref_slice %arg3[%add3A_30, %dma_start3A_73] : memref<512x512xf32, #tpu.memory_space<hbm>> -> memref<1x512xf32, #tpu.memory_space<hbm>>
      %dma_start3A_75 = tpu.memref_squeeze %dma_start3A_74 : memref<1x512xf32, #tpu.memory_space<hbm>> -> memref<512xf32, #tpu.memory_space<hbm>>
      %dma_start3A_76 = arith.constant 0 : i32
      %dma_start3A_77 = tpu.memref_slice %arg3[%add3A_30, %dma_start3A_76] : memref<512x512xf32, #tpu.memory_space<hbm>> -> memref<1x512xf32, #tpu.memory_space<hbm>>
      %dma_start3A_78 = tpu.memref_squeeze %dma_start3A_77 : memref<1x512xf32, #tpu.memory_space<hbm>> -> memref<512xf32, #tpu.memory_space<hbm>>
      %dma_start3A_79 = arith.constant 5632 : i32
      %dma_start3A_80 = tpu.memref_slice %arg6[%dma_start3A_79] : memref<16384xf32, #tpu.memory_space<vmem>> -> memref<512xf32, #tpu.memory_space<vmem>>
      tpu.enqueue_dma source(%dma_start3A_80 : memref<512xf32, #tpu.memory_space<vmem>>) target(%dma_start3A_78 : memref<512xf32, #tpu.memory_space<hbm>>) target_semaphore(%run_scoped3A_71 : memref<!tpu.dma_semaphore, #tpu.memory_space<semaphore_mem>>)
      %dma_wait3A = arith.constant 5632 : i32
      %dma_wait3A_81 = tpu.memref_slice %arg6[%dma_wait3A] : memref<16384xf32, #tpu.memory_space<vmem>> -> memref<512xf32, #tpu.memory_space<vmem>>
      %dma_wait3A_82 = arith.constant 0 : i32
      %dma_wait3A_83 = tpu.memref_slice %arg3[%add3A_30, %dma_wait3A_82] : memref<512x512xf32, #tpu.memory_space<hbm>> -> memref<1x512xf32, #tpu.memory_space<hbm>>
      %dma_wait3A_84 = tpu.memref_squeeze %dma_wait3A_83 : memref<1x512xf32, #tpu.memory_space<hbm>> -> memref<512xf32, #tpu.memory_space<hbm>>
      %dma_wait3A_85 = arith.constant 0 : i32
      %dma_wait3A_86 = tpu.memref_slice %arg3[%add3A_30, %dma_wait3A_85] : memref<512x512xf32, #tpu.memory_space<hbm>> -> memref<1x512xf32, #tpu.memory_space<hbm>>
      %dma_wait3A_87 = tpu.memref_squeeze %dma_wait3A_86 : memref<1x512xf32, #tpu.memory_space<hbm>> -> memref<512xf32, #tpu.memory_space<hbm>>
      %dma_wait3A_88 = arith.constant 5632 : i32
      %dma_wait3A_89 = tpu.memref_slice %arg6[%dma_wait3A_88] : memref<16384xf32, #tpu.memory_space<vmem>> -> memref<512xf32, #tpu.memory_space<vmem>>
      tpu.wait_dma2 semaphore(%run_scoped3A_71 : memref<!tpu.dma_semaphore, #tpu.memory_space<semaphore_mem>>) src(%dma_wait3A_89 : memref<512xf32, #tpu.memory_space<vmem>>) dst(%dma_wait3A_87 : memref<512xf32, #tpu.memory_space<hbm>>)
      tpu.yield
    }) : () -> ()
    %add3A_31 = arith.constant 12 : i32
    %add3A_32 = arith.addi %mul3A_0, %add3A_31 : i32
    "tpu.region"() ({
      %run_scoped3A_71 = tpu.sem_alloc : memref<!tpu.dma_semaphore, #tpu.memory_space<semaphore_mem>>
      %dma_start3A = arith.constant 6144 : i32
      %dma_start3A_72 = tpu.memref_slice %arg6[%dma_start3A] : memref<16384xf32, #tpu.memory_space<vmem>> -> memref<512xf32, #tpu.memory_space<vmem>>
      %dma_start3A_73 = arith.constant 0 : i32
      %dma_start3A_74 = tpu.memref_slice %arg3[%add3A_32, %dma_start3A_73] : memref<512x512xf32, #tpu.memory_space<hbm>> -> memref<1x512xf32, #tpu.memory_space<hbm>>
      %dma_start3A_75 = tpu.memref_squeeze %dma_start3A_74 : memref<1x512xf32, #tpu.memory_space<hbm>> -> memref<512xf32, #tpu.memory_space<hbm>>
      %dma_start3A_76 = arith.constant 0 : i32
      %dma_start3A_77 = tpu.memref_slice %arg3[%add3A_32, %dma_start3A_76] : memref<512x512xf32, #tpu.memory_space<hbm>> -> memref<1x512xf32, #tpu.memory_space<hbm>>
      %dma_start3A_78 = tpu.memref_squeeze %dma_start3A_77 : memref<1x512xf32, #tpu.memory_space<hbm>> -> memref<512xf32, #tpu.memory_space<hbm>>
      %dma_start3A_79 = arith.constant 6144 : i32
      %dma_start3A_80 = tpu.memref_slice %arg6[%dma_start3A_79] : memref<16384xf32, #tpu.memory_space<vmem>> -> memref<512xf32, #tpu.memory_space<vmem>>
      tpu.enqueue_dma source(%dma_start3A_80 : memref<512xf32, #tpu.memory_space<vmem>>) target(%dma_start3A_78 : memref<512xf32, #tpu.memory_space<hbm>>) target_semaphore(%run_scoped3A_71 : memref<!tpu.dma_semaphore, #tpu.memory_space<semaphore_mem>>)
      %dma_wait3A = arith.constant 6144 : i32
      %dma_wait3A_81 = tpu.memref_slice %arg6[%dma_wait3A] : memref<16384xf32, #tpu.memory_space<vmem>> -> memref<512xf32, #tpu.memory_space<vmem>>
      %dma_wait3A_82 = arith.constant 0 : i32
      %dma_wait3A_83 = tpu.memref_slice %arg3[%add3A_32, %dma_wait3A_82] : memref<512x512xf32, #tpu.memory_space<hbm>> -> memref<1x512xf32, #tpu.memory_space<hbm>>
      %dma_wait3A_84 = tpu.memref_squeeze %dma_wait3A_83 : memref<1x512xf32, #tpu.memory_space<hbm>> -> memref<512xf32, #tpu.memory_space<hbm>>
      %dma_wait3A_85 = arith.constant 0 : i32
      %dma_wait3A_86 = tpu.memref_slice %arg3[%add3A_32, %dma_wait3A_85] : memref<512x512xf32, #tpu.memory_space<hbm>> -> memref<1x512xf32, #tpu.memory_space<hbm>>
      %dma_wait3A_87 = tpu.memref_squeeze %dma_wait3A_86 : memref<1x512xf32, #tpu.memory_space<hbm>> -> memref<512xf32, #tpu.memory_space<hbm>>
      %dma_wait3A_88 = arith.constant 6144 : i32
      %dma_wait3A_89 = tpu.memref_slice %arg6[%dma_wait3A_88] : memref<16384xf32, #tpu.memory_space<vmem>> -> memref<512xf32, #tpu.memory_space<vmem>>
      tpu.wait_dma2 semaphore(%run_scoped3A_71 : memref<!tpu.dma_semaphore, #tpu.memory_space<semaphore_mem>>) src(%dma_wait3A_89 : memref<512xf32, #tpu.memory_space<vmem>>) dst(%dma_wait3A_87 : memref<512xf32, #tpu.memory_space<hbm>>)
      tpu.yield
    }) : () -> ()
    %add3A_33 = arith.constant 13 : i32
    %add3A_34 = arith.addi %mul3A_0, %add3A_33 : i32
    "tpu.region"() ({
      %run_scoped3A_71 = tpu.sem_alloc : memref<!tpu.dma_semaphore, #tpu.memory_space<semaphore_mem>>
      %dma_start3A = arith.constant 6656 : i32
      %dma_start3A_72 = tpu.memref_slice %arg6[%dma_start3A] : memref<16384xf32, #tpu.memory_space<vmem>> -> memref<512xf32, #tpu.memory_space<vmem>>
      %dma_start3A_73 = arith.constant 0 : i32
      %dma_start3A_74 = tpu.memref_slice %arg3[%add3A_34, %dma_start3A_73] : memref<512x512xf32, #tpu.memory_space<hbm>> -> memref<1x512xf32, #tpu.memory_space<hbm>>
      %dma_start3A_75 = tpu.memref_squeeze %dma_start3A_74 : memref<1x512xf32, #tpu.memory_space<hbm>> -> memref<512xf32, #tpu.memory_space<hbm>>
      %dma_start3A_76 = arith.constant 0 : i32
      %dma_start3A_77 = tpu.memref_slice %arg3[%add3A_34, %dma_start3A_76] : memref<512x512xf32, #tpu.memory_space<hbm>> -> memref<1x512xf32, #tpu.memory_space<hbm>>
      %dma_start3A_78 = tpu.memref_squeeze %dma_start3A_77 : memref<1x512xf32, #tpu.memory_space<hbm>> -> memref<512xf32, #tpu.memory_space<hbm>>
      %dma_start3A_79 = arith.constant 6656 : i32
      %dma_start3A_80 = tpu.memref_slice %arg6[%dma_start3A_79] : memref<16384xf32, #tpu.memory_space<vmem>> -> memref<512xf32, #tpu.memory_space<vmem>>
      tpu.enqueue_dma source(%dma_start3A_80 : memref<512xf32, #tpu.memory_space<vmem>>) target(%dma_start3A_78 : memref<512xf32, #tpu.memory_space<hbm>>) target_semaphore(%run_scoped3A_71 : memref<!tpu.dma_semaphore, #tpu.memory_space<semaphore_mem>>)
      %dma_wait3A = arith.constant 6656 : i32
      %dma_wait3A_81 = tpu.memref_slice %arg6[%dma_wait3A] : memref<16384xf32, #tpu.memory_space<vmem>> -> memref<512xf32, #tpu.memory_space<vmem>>
      %dma_wait3A_82 = arith.constant 0 : i32
      %dma_wait3A_83 = tpu.memref_slice %arg3[%add3A_34, %dma_wait3A_82] : memref<512x512xf32, #tpu.memory_space<hbm>> -> memref<1x512xf32, #tpu.memory_space<hbm>>
      %dma_wait3A_84 = tpu.memref_squeeze %dma_wait3A_83 : memref<1x512xf32, #tpu.memory_space<hbm>> -> memref<512xf32, #tpu.memory_space<hbm>>
      %dma_wait3A_85 = arith.constant 0 : i32
      %dma_wait3A_86 = tpu.memref_slice %arg3[%add3A_34, %dma_wait3A_85] : memref<512x512xf32, #tpu.memory_space<hbm>> -> memref<1x512xf32, #tpu.memory_space<hbm>>
      %dma_wait3A_87 = tpu.memref_squeeze %dma_wait3A_86 : memref<1x512xf32, #tpu.memory_space<hbm>> -> memref<512xf32, #tpu.memory_space<hbm>>
      %dma_wait3A_88 = arith.constant 6656 : i32
      %dma_wait3A_89 = tpu.memref_slice %arg6[%dma_wait3A_88] : memref<16384xf32, #tpu.memory_space<vmem>> -> memref<512xf32, #tpu.memory_space<vmem>>
      tpu.wait_dma2 semaphore(%run_scoped3A_71 : memref<!tpu.dma_semaphore, #tpu.memory_space<semaphore_mem>>) src(%dma_wait3A_89 : memref<512xf32, #tpu.memory_space<vmem>>) dst(%dma_wait3A_87 : memref<512xf32, #tpu.memory_space<hbm>>)
      tpu.yield
    }) : () -> ()
    %add3A_35 = arith.constant 14 : i32
    %add3A_36 = arith.addi %mul3A_0, %add3A_35 : i32
    "tpu.region"() ({
      %run_scoped3A_71 = tpu.sem_alloc : memref<!tpu.dma_semaphore, #tpu.memory_space<semaphore_mem>>
      %dma_start3A = arith.constant 7168 : i32
      %dma_start3A_72 = tpu.memref_slice %arg6[%dma_start3A] : memref<16384xf32, #tpu.memory_space<vmem>> -> memref<512xf32, #tpu.memory_space<vmem>>
      %dma_start3A_73 = arith.constant 0 : i32
      %dma_start3A_74 = tpu.memref_slice %arg3[%add3A_36, %dma_start3A_73] : memref<512x512xf32, #tpu.memory_space<hbm>> -> memref<1x512xf32, #tpu.memory_space<hbm>>
      %dma_start3A_75 = tpu.memref_squeeze %dma_start3A_74 : memref<1x512xf32, #tpu.memory_space<hbm>> -> memref<512xf32, #tpu.memory_space<hbm>>
      %dma_start3A_76 = arith.constant 0 : i32
      %dma_start3A_77 = tpu.memref_slice %arg3[%add3A_36, %dma_start3A_76] : memref<512x512xf32, #tpu.memory_space<hbm>> -> memref<1x512xf32, #tpu.memory_space<hbm>>
      %dma_start3A_78 = tpu.memref_squeeze %dma_start3A_77 : memref<1x512xf32, #tpu.memory_space<hbm>> -> memref<512xf32, #tpu.memory_space<hbm>>
      %dma_start3A_79 = arith.constant 7168 : i32
      %dma_start3A_80 = tpu.memref_slice %arg6[%dma_start3A_79] : memref<16384xf32, #tpu.memory_space<vmem>> -> memref<512xf32, #tpu.memory_space<vmem>>
      tpu.enqueue_dma source(%dma_start3A_80 : memref<512xf32, #tpu.memory_space<vmem>>) target(%dma_start3A_78 : memref<512xf32, #tpu.memory_space<hbm>>) target_semaphore(%run_scoped3A_71 : memref<!tpu.dma_semaphore, #tpu.memory_space<semaphore_mem>>)
      %dma_wait3A = arith.constant 7168 : i32
      %dma_wait3A_81 = tpu.memref_slice %arg6[%dma_wait3A] : memref<16384xf32, #tpu.memory_space<vmem>> -> memref<512xf32, #tpu.memory_space<vmem>>
      %dma_wait3A_82 = arith.constant 0 : i32
      %dma_wait3A_83 = tpu.memref_slice %arg3[%add3A_36, %dma_wait3A_82] : memref<512x512xf32, #tpu.memory_space<hbm>> -> memref<1x512xf32, #tpu.memory_space<hbm>>
      %dma_wait3A_84 = tpu.memref_squeeze %dma_wait3A_83 : memref<1x512xf32, #tpu.memory_space<hbm>> -> memref<512xf32, #tpu.memory_space<hbm>>
      %dma_wait3A_85 = arith.constant 0 : i32
      %dma_wait3A_86 = tpu.memref_slice %arg3[%add3A_36, %dma_wait3A_85] : memref<512x512xf32, #tpu.memory_space<hbm>> -> memref<1x512xf32, #tpu.memory_space<hbm>>
      %dma_wait3A_87 = tpu.memref_squeeze %dma_wait3A_86 : memref<1x512xf32, #tpu.memory_space<hbm>> -> memref<512xf32, #tpu.memory_space<hbm>>
      %dma_wait3A_88 = arith.constant 7168 : i32
      %dma_wait3A_89 = tpu.memref_slice %arg6[%dma_wait3A_88] : memref<16384xf32, #tpu.memory_space<vmem>> -> memref<512xf32, #tpu.memory_space<vmem>>
      tpu.wait_dma2 semaphore(%run_scoped3A_71 : memref<!tpu.dma_semaphore, #tpu.memory_space<semaphore_mem>>) src(%dma_wait3A_89 : memref<512xf32, #tpu.memory_space<vmem>>) dst(%dma_wait3A_87 : memref<512xf32, #tpu.memory_space<hbm>>)
      tpu.yield
    }) : () -> ()
    %add3A_37 = arith.constant 15 : i32
    %add3A_38 = arith.addi %mul3A_0, %add3A_37 : i32
    "tpu.region"() ({
      %run_scoped3A_71 = tpu.sem_alloc : memref<!tpu.dma_semaphore, #tpu.memory_space<semaphore_mem>>
      %dma_start3A = arith.constant 7680 : i32
      %dma_start3A_72 = tpu.memref_slice %arg6[%dma_start3A] : memref<16384xf32, #tpu.memory_space<vmem>> -> memref<512xf32, #tpu.memory_space<vmem>>
      %dma_start3A_73 = arith.constant 0 : i32
      %dma_start3A_74 = tpu.memref_slice %arg3[%add3A_38, %dma_start3A_73] : memref<512x512xf32, #tpu.memory_space<hbm>> -> memref<1x512xf32, #tpu.memory_space<hbm>>
      %dma_start3A_75 = tpu.memref_squeeze %dma_start3A_74 : memref<1x512xf32, #tpu.memory_space<hbm>> -> memref<512xf32, #tpu.memory_space<hbm>>
      %dma_start3A_76 = arith.constant 0 : i32
      %dma_start3A_77 = tpu.memref_slice %arg3[%add3A_38, %dma_start3A_76] : memref<512x512xf32, #tpu.memory_space<hbm>> -> memref<1x512xf32, #tpu.memory_space<hbm>>
      %dma_start3A_78 = tpu.memref_squeeze %dma_start3A_77 : memref<1x512xf32, #tpu.memory_space<hbm>> -> memref<512xf32, #tpu.memory_space<hbm>>
      %dma_start3A_79 = arith.constant 7680 : i32
      %dma_start3A_80 = tpu.memref_slice %arg6[%dma_start3A_79] : memref<16384xf32, #tpu.memory_space<vmem>> -> memref<512xf32, #tpu.memory_space<vmem>>
      tpu.enqueue_dma source(%dma_start3A_80 : memref<512xf32, #tpu.memory_space<vmem>>) target(%dma_start3A_78 : memref<512xf32, #tpu.memory_space<hbm>>) target_semaphore(%run_scoped3A_71 : memref<!tpu.dma_semaphore, #tpu.memory_space<semaphore_mem>>)
      %dma_wait3A = arith.constant 7680 : i32
      %dma_wait3A_81 = tpu.memref_slice %arg6[%dma_wait3A] : memref<16384xf32, #tpu.memory_space<vmem>> -> memref<512xf32, #tpu.memory_space<vmem>>
      %dma_wait3A_82 = arith.constant 0 : i32
      %dma_wait3A_83 = tpu.memref_slice %arg3[%add3A_38, %dma_wait3A_82] : memref<512x512xf32, #tpu.memory_space<hbm>> -> memref<1x512xf32, #tpu.memory_space<hbm>>
      %dma_wait3A_84 = tpu.memref_squeeze %dma_wait3A_83 : memref<1x512xf32, #tpu.memory_space<hbm>> -> memref<512xf32, #tpu.memory_space<hbm>>
      %dma_wait3A_85 = arith.constant 0 : i32
      %dma_wait3A_86 = tpu.memref_slice %arg3[%add3A_38, %dma_wait3A_85] : memref<512x512xf32, #tpu.memory_space<hbm>> -> memref<1x512xf32, #tpu.memory_space<hbm>>
      %dma_wait3A_87 = tpu.memref_squeeze %dma_wait3A_86 : memref<1x512xf32, #tpu.memory_space<hbm>> -> memref<512xf32, #tpu.memory_space<hbm>>
      %dma_wait3A_88 = arith.constant 7680 : i32
      %dma_wait3A_89 = tpu.memref_slice %arg6[%dma_wait3A_88] : memref<16384xf32, #tpu.memory_space<vmem>> -> memref<512xf32, #tpu.memory_space<vmem>>
      tpu.wait_dma2 semaphore(%run_scoped3A_71 : memref<!tpu.dma_semaphore, #tpu.memory_space<semaphore_mem>>) src(%dma_wait3A_89 : memref<512xf32, #tpu.memory_space<vmem>>) dst(%dma_wait3A_87 : memref<512xf32, #tpu.memory_space<hbm>>)
      tpu.yield
    }) : () -> ()
    %add3A_39 = arith.constant 16 : i32
    %add3A_40 = arith.addi %mul3A_0, %add3A_39 : i32
    "tpu.region"() ({
      %run_scoped3A_71 = tpu.sem_alloc : memref<!tpu.dma_semaphore, #tpu.memory_space<semaphore_mem>>
      %dma_start3A = arith.constant 8192 : i32
      %dma_start3A_72 = tpu.memref_slice %arg6[%dma_start3A] : memref<16384xf32, #tpu.memory_space<vmem>> -> memref<512xf32, #tpu.memory_space<vmem>>
      %dma_start3A_73 = arith.constant 0 : i32
      %dma_start3A_74 = tpu.memref_slice %arg3[%add3A_40, %dma_start3A_73] : memref<512x512xf32, #tpu.memory_space<hbm>> -> memref<1x512xf32, #tpu.memory_space<hbm>>
      %dma_start3A_75 = tpu.memref_squeeze %dma_start3A_74 : memref<1x512xf32, #tpu.memory_space<hbm>> -> memref<512xf32, #tpu.memory_space<hbm>>
      %dma_start3A_76 = arith.constant 0 : i32
      %dma_start3A_77 = tpu.memref_slice %arg3[%add3A_40, %dma_start3A_76] : memref<512x512xf32, #tpu.memory_space<hbm>> -> memref<1x512xf32, #tpu.memory_space<hbm>>
      %dma_start3A_78 = tpu.memref_squeeze %dma_start3A_77 : memref<1x512xf32, #tpu.memory_space<hbm>> -> memref<512xf32, #tpu.memory_space<hbm>>
      %dma_start3A_79 = arith.constant 8192 : i32
      %dma_start3A_80 = tpu.memref_slice %arg6[%dma_start3A_79] : memref<16384xf32, #tpu.memory_space<vmem>> -> memref<512xf32, #tpu.memory_space<vmem>>
      tpu.enqueue_dma source(%dma_start3A_80 : memref<512xf32, #tpu.memory_space<vmem>>) target(%dma_start3A_78 : memref<512xf32, #tpu.memory_space<hbm>>) target_semaphore(%run_scoped3A_71 : memref<!tpu.dma_semaphore, #tpu.memory_space<semaphore_mem>>)
      %dma_wait3A = arith.constant 8192 : i32
      %dma_wait3A_81 = tpu.memref_slice %arg6[%dma_wait3A] : memref<16384xf32, #tpu.memory_space<vmem>> -> memref<512xf32, #tpu.memory_space<vmem>>
      %dma_wait3A_82 = arith.constant 0 : i32
      %dma_wait3A_83 = tpu.memref_slice %arg3[%add3A_40, %dma_wait3A_82] : memref<512x512xf32, #tpu.memory_space<hbm>> -> memref<1x512xf32, #tpu.memory_space<hbm>>
      %dma_wait3A_84 = tpu.memref_squeeze %dma_wait3A_83 : memref<1x512xf32, #tpu.memory_space<hbm>> -> memref<512xf32, #tpu.memory_space<hbm>>
      %dma_wait3A_85 = arith.constant 0 : i32
      %dma_wait3A_86 = tpu.memref_slice %arg3[%add3A_40, %dma_wait3A_85] : memref<512x512xf32, #tpu.memory_space<hbm>> -> memref<1x512xf32, #tpu.memory_space<hbm>>
      %dma_wait3A_87 = tpu.memref_squeeze %dma_wait3A_86 : memref<1x512xf32, #tpu.memory_space<hbm>> -> memref<512xf32, #tpu.memory_space<hbm>>
      %dma_wait3A_88 = arith.constant 8192 : i32
      %dma_wait3A_89 = tpu.memref_slice %arg6[%dma_wait3A_88] : memref<16384xf32, #tpu.memory_space<vmem>> -> memref<512xf32, #tpu.memory_space<vmem>>
      tpu.wait_dma2 semaphore(%run_scoped3A_71 : memref<!tpu.dma_semaphore, #tpu.memory_space<semaphore_mem>>) src(%dma_wait3A_89 : memref<512xf32, #tpu.memory_space<vmem>>) dst(%dma_wait3A_87 : memref<512xf32, #tpu.memory_space<hbm>>)
      tpu.yield
    }) : () -> ()
    %add3A_41 = arith.constant 17 : i32
    %add3A_42 = arith.addi %mul3A_0, %add3A_41 : i32
    "tpu.region"() ({
      %run_scoped3A_71 = tpu.sem_alloc : memref<!tpu.dma_semaphore, #tpu.memory_space<semaphore_mem>>
      %dma_start3A = arith.constant 8704 : i32
      %dma_start3A_72 = tpu.memref_slice %arg6[%dma_start3A] : memref<16384xf32, #tpu.memory_space<vmem>> -> memref<512xf32, #tpu.memory_space<vmem>>
      %dma_start3A_73 = arith.constant 0 : i32
      %dma_start3A_74 = tpu.memref_slice %arg3[%add3A_42, %dma_start3A_73] : memref<512x512xf32, #tpu.memory_space<hbm>> -> memref<1x512xf32, #tpu.memory_space<hbm>>
      %dma_start3A_75 = tpu.memref_squeeze %dma_start3A_74 : memref<1x512xf32, #tpu.memory_space<hbm>> -> memref<512xf32, #tpu.memory_space<hbm>>
      %dma_start3A_76 = arith.constant 0 : i32
      %dma_start3A_77 = tpu.memref_slice %arg3[%add3A_42, %dma_start3A_76] : memref<512x512xf32, #tpu.memory_space<hbm>> -> memref<1x512xf32, #tpu.memory_space<hbm>>
      %dma_start3A_78 = tpu.memref_squeeze %dma_start3A_77 : memref<1x512xf32, #tpu.memory_space<hbm>> -> memref<512xf32, #tpu.memory_space<hbm>>
      %dma_start3A_79 = arith.constant 8704 : i32
      %dma_start3A_80 = tpu.memref_slice %arg6[%dma_start3A_79] : memref<16384xf32, #tpu.memory_space<vmem>> -> memref<512xf32, #tpu.memory_space<vmem>>
      tpu.enqueue_dma source(%dma_start3A_80 : memref<512xf32, #tpu.memory_space<vmem>>) target(%dma_start3A_78 : memref<512xf32, #tpu.memory_space<hbm>>) target_semaphore(%run_scoped3A_71 : memref<!tpu.dma_semaphore, #tpu.memory_space<semaphore_mem>>)
      %dma_wait3A = arith.constant 8704 : i32
      %dma_wait3A_81 = tpu.memref_slice %arg6[%dma_wait3A] : memref<16384xf32, #tpu.memory_space<vmem>> -> memref<512xf32, #tpu.memory_space<vmem>>
      %dma_wait3A_82 = arith.constant 0 : i32
      %dma_wait3A_83 = tpu.memref_slice %arg3[%add3A_42, %dma_wait3A_82] : memref<512x512xf32, #tpu.memory_space<hbm>> -> memref<1x512xf32, #tpu.memory_space<hbm>>
      %dma_wait3A_84 = tpu.memref_squeeze %dma_wait3A_83 : memref<1x512xf32, #tpu.memory_space<hbm>> -> memref<512xf32, #tpu.memory_space<hbm>>
      %dma_wait3A_85 = arith.constant 0 : i32
      %dma_wait3A_86 = tpu.memref_slice %arg3[%add3A_42, %dma_wait3A_85] : memref<512x512xf32, #tpu.memory_space<hbm>> -> memref<1x512xf32, #tpu.memory_space<hbm>>
      %dma_wait3A_87 = tpu.memref_squeeze %dma_wait3A_86 : memref<1x512xf32, #tpu.memory_space<hbm>> -> memref<512xf32, #tpu.memory_space<hbm>>
      %dma_wait3A_88 = arith.constant 8704 : i32
      %dma_wait3A_89 = tpu.memref_slice %arg6[%dma_wait3A_88] : memref<16384xf32, #tpu.memory_space<vmem>> -> memref<512xf32, #tpu.memory_space<vmem>>
      tpu.wait_dma2 semaphore(%run_scoped3A_71 : memref<!tpu.dma_semaphore, #tpu.memory_space<semaphore_mem>>) src(%dma_wait3A_89 : memref<512xf32, #tpu.memory_space<vmem>>) dst(%dma_wait3A_87 : memref<512xf32, #tpu.memory_space<hbm>>)
      tpu.yield
    }) : () -> ()
    %add3A_43 = arith.constant 18 : i32
    %add3A_44 = arith.addi %mul3A_0, %add3A_43 : i32
    "tpu.region"() ({
      %run_scoped3A_71 = tpu.sem_alloc : memref<!tpu.dma_semaphore, #tpu.memory_space<semaphore_mem>>
      %dma_start3A = arith.constant 9216 : i32
      %dma_start3A_72 = tpu.memref_slice %arg6[%dma_start3A] : memref<16384xf32, #tpu.memory_space<vmem>> -> memref<512xf32, #tpu.memory_space<vmem>>
      %dma_start3A_73 = arith.constant 0 : i32
      %dma_start3A_74 = tpu.memref_slice %arg3[%add3A_44, %dma_start3A_73] : memref<512x512xf32, #tpu.memory_space<hbm>> -> memref<1x512xf32, #tpu.memory_space<hbm>>
      %dma_start3A_75 = tpu.memref_squeeze %dma_start3A_74 : memref<1x512xf32, #tpu.memory_space<hbm>> -> memref<512xf32, #tpu.memory_space<hbm>>
      %dma_start3A_76 = arith.constant 0 : i32
      %dma_start3A_77 = tpu.memref_slice %arg3[%add3A_44, %dma_start3A_76] : memref<512x512xf32, #tpu.memory_space<hbm>> -> memref<1x512xf32, #tpu.memory_space<hbm>>
      %dma_start3A_78 = tpu.memref_squeeze %dma_start3A_77 : memref<1x512xf32, #tpu.memory_space<hbm>> -> memref<512xf32, #tpu.memory_space<hbm>>
      %dma_start3A_79 = arith.constant 9216 : i32
      %dma_start3A_80 = tpu.memref_slice %arg6[%dma_start3A_79] : memref<16384xf32, #tpu.memory_space<vmem>> -> memref<512xf32, #tpu.memory_space<vmem>>
      tpu.enqueue_dma source(%dma_start3A_80 : memref<512xf32, #tpu.memory_space<vmem>>) target(%dma_start3A_78 : memref<512xf32, #tpu.memory_space<hbm>>) target_semaphore(%run_scoped3A_71 : memref<!tpu.dma_semaphore, #tpu.memory_space<semaphore_mem>>)
      %dma_wait3A = arith.constant 9216 : i32
      %dma_wait3A_81 = tpu.memref_slice %arg6[%dma_wait3A] : memref<16384xf32, #tpu.memory_space<vmem>> -> memref<512xf32, #tpu.memory_space<vmem>>
      %dma_wait3A_82 = arith.constant 0 : i32
      %dma_wait3A_83 = tpu.memref_slice %arg3[%add3A_44, %dma_wait3A_82] : memref<512x512xf32, #tpu.memory_space<hbm>> -> memref<1x512xf32, #tpu.memory_space<hbm>>
      %dma_wait3A_84 = tpu.memref_squeeze %dma_wait3A_83 : memref<1x512xf32, #tpu.memory_space<hbm>> -> memref<512xf32, #tpu.memory_space<hbm>>
      %dma_wait3A_85 = arith.constant 0 : i32
      %dma_wait3A_86 = tpu.memref_slice %arg3[%add3A_44, %dma_wait3A_85] : memref<512x512xf32, #tpu.memory_space<hbm>> -> memref<1x512xf32, #tpu.memory_space<hbm>>
      %dma_wait3A_87 = tpu.memref_squeeze %dma_wait3A_86 : memref<1x512xf32, #tpu.memory_space<hbm>> -> memref<512xf32, #tpu.memory_space<hbm>>
      %dma_wait3A_88 = arith.constant 9216 : i32
      %dma_wait3A_89 = tpu.memref_slice %arg6[%dma_wait3A_88] : memref<16384xf32, #tpu.memory_space<vmem>> -> memref<512xf32, #tpu.memory_space<vmem>>
      tpu.wait_dma2 semaphore(%run_scoped3A_71 : memref<!tpu.dma_semaphore, #tpu.memory_space<semaphore_mem>>) src(%dma_wait3A_89 : memref<512xf32, #tpu.memory_space<vmem>>) dst(%dma_wait3A_87 : memref<512xf32, #tpu.memory_space<hbm>>)
      tpu.yield
    }) : () -> ()
    %add3A_45 = arith.constant 19 : i32
    %add3A_46 = arith.addi %mul3A_0, %add3A_45 : i32
    "tpu.region"() ({
      %run_scoped3A_71 = tpu.sem_alloc : memref<!tpu.dma_semaphore, #tpu.memory_space<semaphore_mem>>
      %dma_start3A = arith.constant 9728 : i32
      %dma_start3A_72 = tpu.memref_slice %arg6[%dma_start3A] : memref<16384xf32, #tpu.memory_space<vmem>> -> memref<512xf32, #tpu.memory_space<vmem>>
      %dma_start3A_73 = arith.constant 0 : i32
      %dma_start3A_74 = tpu.memref_slice %arg3[%add3A_46, %dma_start3A_73] : memref<512x512xf32, #tpu.memory_space<hbm>> -> memref<1x512xf32, #tpu.memory_space<hbm>>
      %dma_start3A_75 = tpu.memref_squeeze %dma_start3A_74 : memref<1x512xf32, #tpu.memory_space<hbm>> -> memref<512xf32, #tpu.memory_space<hbm>>
      %dma_start3A_76 = arith.constant 0 : i32
      %dma_start3A_77 = tpu.memref_slice %arg3[%add3A_46, %dma_start3A_76] : memref<512x512xf32, #tpu.memory_space<hbm>> -> memref<1x512xf32, #tpu.memory_space<hbm>>
      %dma_start3A_78 = tpu.memref_squeeze %dma_start3A_77 : memref<1x512xf32, #tpu.memory_space<hbm>> -> memref<512xf32, #tpu.memory_space<hbm>>
      %dma_start3A_79 = arith.constant 9728 : i32
      %dma_start3A_80 = tpu.memref_slice %arg6[%dma_start3A_79] : memref<16384xf32, #tpu.memory_space<vmem>> -> memref<512xf32, #tpu.memory_space<vmem>>
      tpu.enqueue_dma source(%dma_start3A_80 : memref<512xf32, #tpu.memory_space<vmem>>) target(%dma_start3A_78 : memref<512xf32, #tpu.memory_space<hbm>>) target_semaphore(%run_scoped3A_71 : memref<!tpu.dma_semaphore, #tpu.memory_space<semaphore_mem>>)
      %dma_wait3A = arith.constant 9728 : i32
      %dma_wait3A_81 = tpu.memref_slice %arg6[%dma_wait3A] : memref<16384xf32, #tpu.memory_space<vmem>> -> memref<512xf32, #tpu.memory_space<vmem>>
      %dma_wait3A_82 = arith.constant 0 : i32
      %dma_wait3A_83 = tpu.memref_slice %arg3[%add3A_46, %dma_wait3A_82] : memref<512x512xf32, #tpu.memory_space<hbm>> -> memref<1x512xf32, #tpu.memory_space<hbm>>
      %dma_wait3A_84 = tpu.memref_squeeze %dma_wait3A_83 : memref<1x512xf32, #tpu.memory_space<hbm>> -> memref<512xf32, #tpu.memory_space<hbm>>
      %dma_wait3A_85 = arith.constant 0 : i32
      %dma_wait3A_86 = tpu.memref_slice %arg3[%add3A_46, %dma_wait3A_85] : memref<512x512xf32, #tpu.memory_space<hbm>> -> memref<1x512xf32, #tpu.memory_space<hbm>>
      %dma_wait3A_87 = tpu.memref_squeeze %dma_wait3A_86 : memref<1x512xf32, #tpu.memory_space<hbm>> -> memref<512xf32, #tpu.memory_space<hbm>>
      %dma_wait3A_88 = arith.constant 9728 : i32
      %dma_wait3A_89 = tpu.memref_slice %arg6[%dma_wait3A_88] : memref<16384xf32, #tpu.memory_space<vmem>> -> memref<512xf32, #tpu.memory_space<vmem>>
      tpu.wait_dma2 semaphore(%run_scoped3A_71 : memref<!tpu.dma_semaphore, #tpu.memory_space<semaphore_mem>>) src(%dma_wait3A_89 : memref<512xf32, #tpu.memory_space<vmem>>) dst(%dma_wait3A_87 : memref<512xf32, #tpu.memory_space<hbm>>)
      tpu.yield
    }) : () -> ()
    %add3A_47 = arith.constant 20 : i32
    %add3A_48 = arith.addi %mul3A_0, %add3A_47 : i32
    "tpu.region"() ({
      %run_scoped3A_71 = tpu.sem_alloc : memref<!tpu.dma_semaphore, #tpu.memory_space<semaphore_mem>>
      %dma_start3A = arith.constant 10240 : i32
      %dma_start3A_72 = tpu.memref_slice %arg6[%dma_start3A] : memref<16384xf32, #tpu.memory_space<vmem>> -> memref<512xf32, #tpu.memory_space<vmem>>
      %dma_start3A_73 = arith.constant 0 : i32
      %dma_start3A_74 = tpu.memref_slice %arg3[%add3A_48, %dma_start3A_73] : memref<512x512xf32, #tpu.memory_space<hbm>> -> memref<1x512xf32, #tpu.memory_space<hbm>>
      %dma_start3A_75 = tpu.memref_squeeze %dma_start3A_74 : memref<1x512xf32, #tpu.memory_space<hbm>> -> memref<512xf32, #tpu.memory_space<hbm>>
      %dma_start3A_76 = arith.constant 0 : i32
      %dma_start3A_77 = tpu.memref_slice %arg3[%add3A_48, %dma_start3A_76] : memref<512x512xf32, #tpu.memory_space<hbm>> -> memref<1x512xf32, #tpu.memory_space<hbm>>
      %dma_start3A_78 = tpu.memref_squeeze %dma_start3A_77 : memref<1x512xf32, #tpu.memory_space<hbm>> -> memref<512xf32, #tpu.memory_space<hbm>>
      %dma_start3A_79 = arith.constant 10240 : i32
      %dma_start3A_80 = tpu.memref_slice %arg6[%dma_start3A_79] : memref<16384xf32, #tpu.memory_space<vmem>> -> memref<512xf32, #tpu.memory_space<vmem>>
      tpu.enqueue_dma source(%dma_start3A_80 : memref<512xf32, #tpu.memory_space<vmem>>) target(%dma_start3A_78 : memref<512xf32, #tpu.memory_space<hbm>>) target_semaphore(%run_scoped3A_71 : memref<!tpu.dma_semaphore, #tpu.memory_space<semaphore_mem>>)
      %dma_wait3A = arith.constant 10240 : i32
      %dma_wait3A_81 = tpu.memref_slice %arg6[%dma_wait3A] : memref<16384xf32, #tpu.memory_space<vmem>> -> memref<512xf32, #tpu.memory_space<vmem>>
      %dma_wait3A_82 = arith.constant 0 : i32
      %dma_wait3A_83 = tpu.memref_slice %arg3[%add3A_48, %dma_wait3A_82] : memref<512x512xf32, #tpu.memory_space<hbm>> -> memref<1x512xf32, #tpu.memory_space<hbm>>
      %dma_wait3A_84 = tpu.memref_squeeze %dma_wait3A_83 : memref<1x512xf32, #tpu.memory_space<hbm>> -> memref<512xf32, #tpu.memory_space<hbm>>
      %dma_wait3A_85 = arith.constant 0 : i32
      %dma_wait3A_86 = tpu.memref_slice %arg3[%add3A_48, %dma_wait3A_85] : memref<512x512xf32, #tpu.memory_space<hbm>> -> memref<1x512xf32, #tpu.memory_space<hbm>>
      %dma_wait3A_87 = tpu.memref_squeeze %dma_wait3A_86 : memref<1x512xf32, #tpu.memory_space<hbm>> -> memref<512xf32, #tpu.memory_space<hbm>>
      %dma_wait3A_88 = arith.constant 10240 : i32
      %dma_wait3A_89 = tpu.memref_slice %arg6[%dma_wait3A_88] : memref<16384xf32, #tpu.memory_space<vmem>> -> memref<512xf32, #tpu.memory_space<vmem>>
      tpu.wait_dma2 semaphore(%run_scoped3A_71 : memref<!tpu.dma_semaphore, #tpu.memory_space<semaphore_mem>>) src(%dma_wait3A_89 : memref<512xf32, #tpu.memory_space<vmem>>) dst(%dma_wait3A_87 : memref<512xf32, #tpu.memory_space<hbm>>)
      tpu.yield
    }) : () -> ()
    %add3A_49 = arith.constant 21 : i32
    %add3A_50 = arith.addi %mul3A_0, %add3A_49 : i32
    "tpu.region"() ({
      %run_scoped3A_71 = tpu.sem_alloc : memref<!tpu.dma_semaphore, #tpu.memory_space<semaphore_mem>>
      %dma_start3A = arith.constant 10752 : i32
      %dma_start3A_72 = tpu.memref_slice %arg6[%dma_start3A] : memref<16384xf32, #tpu.memory_space<vmem>> -> memref<512xf32, #tpu.memory_space<vmem>>
      %dma_start3A_73 = arith.constant 0 : i32
      %dma_start3A_74 = tpu.memref_slice %arg3[%add3A_50, %dma_start3A_73] : memref<512x512xf32, #tpu.memory_space<hbm>> -> memref<1x512xf32, #tpu.memory_space<hbm>>
      %dma_start3A_75 = tpu.memref_squeeze %dma_start3A_74 : memref<1x512xf32, #tpu.memory_space<hbm>> -> memref<512xf32, #tpu.memory_space<hbm>>
      %dma_start3A_76 = arith.constant 0 : i32
      %dma_start3A_77 = tpu.memref_slice %arg3[%add3A_50, %dma_start3A_76] : memref<512x512xf32, #tpu.memory_space<hbm>> -> memref<1x512xf32, #tpu.memory_space<hbm>>
      %dma_start3A_78 = tpu.memref_squeeze %dma_start3A_77 : memref<1x512xf32, #tpu.memory_space<hbm>> -> memref<512xf32, #tpu.memory_space<hbm>>
      %dma_start3A_79 = arith.constant 10752 : i32
      %dma_start3A_80 = tpu.memref_slice %arg6[%dma_start3A_79] : memref<16384xf32, #tpu.memory_space<vmem>> -> memref<512xf32, #tpu.memory_space<vmem>>
      tpu.enqueue_dma source(%dma_start3A_80 : memref<512xf32, #tpu.memory_space<vmem>>) target(%dma_start3A_78 : memref<512xf32, #tpu.memory_space<hbm>>) target_semaphore(%run_scoped3A_71 : memref<!tpu.dma_semaphore, #tpu.memory_space<semaphore_mem>>)
      %dma_wait3A = arith.constant 10752 : i32
      %dma_wait3A_81 = tpu.memref_slice %arg6[%dma_wait3A] : memref<16384xf32, #tpu.memory_space<vmem>> -> memref<512xf32, #tpu.memory_space<vmem>>
      %dma_wait3A_82 = arith.constant 0 : i32
      %dma_wait3A_83 = tpu.memref_slice %arg3[%add3A_50, %dma_wait3A_82] : memref<512x512xf32, #tpu.memory_space<hbm>> -> memref<1x512xf32, #tpu.memory_space<hbm>>
      %dma_wait3A_84 = tpu.memref_squeeze %dma_wait3A_83 : memref<1x512xf32, #tpu.memory_space<hbm>> -> memref<512xf32, #tpu.memory_space<hbm>>
      %dma_wait3A_85 = arith.constant 0 : i32
      %dma_wait3A_86 = tpu.memref_slice %arg3[%add3A_50, %dma_wait3A_85] : memref<512x512xf32, #tpu.memory_space<hbm>> -> memref<1x512xf32, #tpu.memory_space<hbm>>
      %dma_wait3A_87 = tpu.memref_squeeze %dma_wait3A_86 : memref<1x512xf32, #tpu.memory_space<hbm>> -> memref<512xf32, #tpu.memory_space<hbm>>
      %dma_wait3A_88 = arith.constant 10752 : i32
      %dma_wait3A_89 = tpu.memref_slice %arg6[%dma_wait3A_88] : memref<16384xf32, #tpu.memory_space<vmem>> -> memref<512xf32, #tpu.memory_space<vmem>>
      tpu.wait_dma2 semaphore(%run_scoped3A_71 : memref<!tpu.dma_semaphore, #tpu.memory_space<semaphore_mem>>) src(%dma_wait3A_89 : memref<512xf32, #tpu.memory_space<vmem>>) dst(%dma_wait3A_87 : memref<512xf32, #tpu.memory_space<hbm>>)
      tpu.yield
    }) : () -> ()
    %add3A_51 = arith.constant 22 : i32
    %add3A_52 = arith.addi %mul3A_0, %add3A_51 : i32
    "tpu.region"() ({
      %run_scoped3A_71 = tpu.sem_alloc : memref<!tpu.dma_semaphore, #tpu.memory_space<semaphore_mem>>
      %dma_start3A = arith.constant 11264 : i32
      %dma_start3A_72 = tpu.memref_slice %arg6[%dma_start3A] : memref<16384xf32, #tpu.memory_space<vmem>> -> memref<512xf32, #tpu.memory_space<vmem>>
      %dma_start3A_73 = arith.constant 0 : i32
      %dma_start3A_74 = tpu.memref_slice %arg3[%add3A_52, %dma_start3A_73] : memref<512x512xf32, #tpu.memory_space<hbm>> -> memref<1x512xf32, #tpu.memory_space<hbm>>
      %dma_start3A_75 = tpu.memref_squeeze %dma_start3A_74 : memref<1x512xf32, #tpu.memory_space<hbm>> -> memref<512xf32, #tpu.memory_space<hbm>>
      %dma_start3A_76 = arith.constant 0 : i32
      %dma_start3A_77 = tpu.memref_slice %arg3[%add3A_52, %dma_start3A_76] : memref<512x512xf32, #tpu.memory_space<hbm>> -> memref<1x512xf32, #tpu.memory_space<hbm>>
      %dma_start3A_78 = tpu.memref_squeeze %dma_start3A_77 : memref<1x512xf32, #tpu.memory_space<hbm>> -> memref<512xf32, #tpu.memory_space<hbm>>
      %dma_start3A_79 = arith.constant 11264 : i32
      %dma_start3A_80 = tpu.memref_slice %arg6[%dma_start3A_79] : memref<16384xf32, #tpu.memory_space<vmem>> -> memref<512xf32, #tpu.memory_space<vmem>>
      tpu.enqueue_dma source(%dma_start3A_80 : memref<512xf32, #tpu.memory_space<vmem>>) target(%dma_start3A_78 : memref<512xf32, #tpu.memory_space<hbm>>) target_semaphore(%run_scoped3A_71 : memref<!tpu.dma_semaphore, #tpu.memory_space<semaphore_mem>>)
      %dma_wait3A = arith.constant 11264 : i32
      %dma_wait3A_81 = tpu.memref_slice %arg6[%dma_wait3A] : memref<16384xf32, #tpu.memory_space<vmem>> -> memref<512xf32, #tpu.memory_space<vmem>>
      %dma_wait3A_82 = arith.constant 0 : i32
      %dma_wait3A_83 = tpu.memref_slice %arg3[%add3A_52, %dma_wait3A_82] : memref<512x512xf32, #tpu.memory_space<hbm>> -> memref<1x512xf32, #tpu.memory_space<hbm>>
      %dma_wait3A_84 = tpu.memref_squeeze %dma_wait3A_83 : memref<1x512xf32, #tpu.memory_space<hbm>> -> memref<512xf32, #tpu.memory_space<hbm>>
      %dma_wait3A_85 = arith.constant 0 : i32
      %dma_wait3A_86 = tpu.memref_slice %arg3[%add3A_52, %dma_wait3A_85] : memref<512x512xf32, #tpu.memory_space<hbm>> -> memref<1x512xf32, #tpu.memory_space<hbm>>
      %dma_wait3A_87 = tpu.memref_squeeze %dma_wait3A_86 : memref<1x512xf32, #tpu.memory_space<hbm>> -> memref<512xf32, #tpu.memory_space<hbm>>
      %dma_wait3A_88 = arith.constant 11264 : i32
      %dma_wait3A_89 = tpu.memref_slice %arg6[%dma_wait3A_88] : memref<16384xf32, #tpu.memory_space<vmem>> -> memref<512xf32, #tpu.memory_space<vmem>>
      tpu.wait_dma2 semaphore(%run_scoped3A_71 : memref<!tpu.dma_semaphore, #tpu.memory_space<semaphore_mem>>) src(%dma_wait3A_89 : memref<512xf32, #tpu.memory_space<vmem>>) dst(%dma_wait3A_87 : memref<512xf32, #tpu.memory_space<hbm>>)
      tpu.yield
    }) : () -> ()
    %add3A_53 = arith.constant 23 : i32
    %add3A_54 = arith.addi %mul3A_0, %add3A_53 : i32
    "tpu.region"() ({
      %run_scoped3A_71 = tpu.sem_alloc : memref<!tpu.dma_semaphore, #tpu.memory_space<semaphore_mem>>
      %dma_start3A = arith.constant 11776 : i32
      %dma_start3A_72 = tpu.memref_slice %arg6[%dma_start3A] : memref<16384xf32, #tpu.memory_space<vmem>> -> memref<512xf32, #tpu.memory_space<vmem>>
      %dma_start3A_73 = arith.constant 0 : i32
      %dma_start3A_74 = tpu.memref_slice %arg3[%add3A_54, %dma_start3A_73] : memref<512x512xf32, #tpu.memory_space<hbm>> -> memref<1x512xf32, #tpu.memory_space<hbm>>
      %dma_start3A_75 = tpu.memref_squeeze %dma_start3A_74 : memref<1x512xf32, #tpu.memory_space<hbm>> -> memref<512xf32, #tpu.memory_space<hbm>>
      %dma_start3A_76 = arith.constant 0 : i32
      %dma_start3A_77 = tpu.memref_slice %arg3[%add3A_54, %dma_start3A_76] : memref<512x512xf32, #tpu.memory_space<hbm>> -> memref<1x512xf32, #tpu.memory_space<hbm>>
      %dma_start3A_78 = tpu.memref_squeeze %dma_start3A_77 : memref<1x512xf32, #tpu.memory_space<hbm>> -> memref<512xf32, #tpu.memory_space<hbm>>
      %dma_start3A_79 = arith.constant 11776 : i32
      %dma_start3A_80 = tpu.memref_slice %arg6[%dma_start3A_79] : memref<16384xf32, #tpu.memory_space<vmem>> -> memref<512xf32, #tpu.memory_space<vmem>>
      tpu.enqueue_dma source(%dma_start3A_80 : memref<512xf32, #tpu.memory_space<vmem>>) target(%dma_start3A_78 : memref<512xf32, #tpu.memory_space<hbm>>) target_semaphore(%run_scoped3A_71 : memref<!tpu.dma_semaphore, #tpu.memory_space<semaphore_mem>>)
      %dma_wait3A = arith.constant 11776 : i32
      %dma_wait3A_81 = tpu.memref_slice %arg6[%dma_wait3A] : memref<16384xf32, #tpu.memory_space<vmem>> -> memref<512xf32, #tpu.memory_space<vmem>>
      %dma_wait3A_82 = arith.constant 0 : i32
      %dma_wait3A_83 = tpu.memref_slice %arg3[%add3A_54, %dma_wait3A_82] : memref<512x512xf32, #tpu.memory_space<hbm>> -> memref<1x512xf32, #tpu.memory_space<hbm>>
      %dma_wait3A_84 = tpu.memref_squeeze %dma_wait3A_83 : memref<1x512xf32, #tpu.memory_space<hbm>> -> memref<512xf32, #tpu.memory_space<hbm>>
      %dma_wait3A_85 = arith.constant 0 : i32
      %dma_wait3A_86 = tpu.memref_slice %arg3[%add3A_54, %dma_wait3A_85] : memref<512x512xf32, #tpu.memory_space<hbm>> -> memref<1x512xf32, #tpu.memory_space<hbm>>
      %dma_wait3A_87 = tpu.memref_squeeze %dma_wait3A_86 : memref<1x512xf32, #tpu.memory_space<hbm>> -> memref<512xf32, #tpu.memory_space<hbm>>
      %dma_wait3A_88 = arith.constant 11776 : i32
      %dma_wait3A_89 = tpu.memref_slice %arg6[%dma_wait3A_88] : memref<16384xf32, #tpu.memory_space<vmem>> -> memref<512xf32, #tpu.memory_space<vmem>>
      tpu.wait_dma2 semaphore(%run_scoped3A_71 : memref<!tpu.dma_semaphore, #tpu.memory_space<semaphore_mem>>) src(%dma_wait3A_89 : memref<512xf32, #tpu.memory_space<vmem>>) dst(%dma_wait3A_87 : memref<512xf32, #tpu.memory_space<hbm>>)
      tpu.yield
    }) : () -> ()
    %add3A_55 = arith.constant 24 : i32
    %add3A_56 = arith.addi %mul3A_0, %add3A_55 : i32
    "tpu.region"() ({
      %run_scoped3A_71 = tpu.sem_alloc : memref<!tpu.dma_semaphore, #tpu.memory_space<semaphore_mem>>
      %dma_start3A = arith.constant 12288 : i32
      %dma_start3A_72 = tpu.memref_slice %arg6[%dma_start3A] : memref<16384xf32, #tpu.memory_space<vmem>> -> memref<512xf32, #tpu.memory_space<vmem>>
      %dma_start3A_73 = arith.constant 0 : i32
      %dma_start3A_74 = tpu.memref_slice %arg3[%add3A_56, %dma_start3A_73] : memref<512x512xf32, #tpu.memory_space<hbm>> -> memref<1x512xf32, #tpu.memory_space<hbm>>
      %dma_start3A_75 = tpu.memref_squeeze %dma_start3A_74 : memref<1x512xf32, #tpu.memory_space<hbm>> -> memref<512xf32, #tpu.memory_space<hbm>>
      %dma_start3A_76 = arith.constant 0 : i32
      %dma_start3A_77 = tpu.memref_slice %arg3[%add3A_56, %dma_start3A_76] : memref<512x512xf32, #tpu.memory_space<hbm>> -> memref<1x512xf32, #tpu.memory_space<hbm>>
      %dma_start3A_78 = tpu.memref_squeeze %dma_start3A_77 : memref<1x512xf32, #tpu.memory_space<hbm>> -> memref<512xf32, #tpu.memory_space<hbm>>
      %dma_start3A_79 = arith.constant 12288 : i32
      %dma_start3A_80 = tpu.memref_slice %arg6[%dma_start3A_79] : memref<16384xf32, #tpu.memory_space<vmem>> -> memref<512xf32, #tpu.memory_space<vmem>>
      tpu.enqueue_dma source(%dma_start3A_80 : memref<512xf32, #tpu.memory_space<vmem>>) target(%dma_start3A_78 : memref<512xf32, #tpu.memory_space<hbm>>) target_semaphore(%run_scoped3A_71 : memref<!tpu.dma_semaphore, #tpu.memory_space<semaphore_mem>>)
      %dma_wait3A = arith.constant 12288 : i32
      %dma_wait3A_81 = tpu.memref_slice %arg6[%dma_wait3A] : memref<16384xf32, #tpu.memory_space<vmem>> -> memref<512xf32, #tpu.memory_space<vmem>>
      %dma_wait3A_82 = arith.constant 0 : i32
      %dma_wait3A_83 = tpu.memref_slice %arg3[%add3A_56, %dma_wait3A_82] : memref<512x512xf32, #tpu.memory_space<hbm>> -> memref<1x512xf32, #tpu.memory_space<hbm>>
      %dma_wait3A_84 = tpu.memref_squeeze %dma_wait3A_83 : memref<1x512xf32, #tpu.memory_space<hbm>> -> memref<512xf32, #tpu.memory_space<hbm>>
      %dma_wait3A_85 = arith.constant 0 : i32
      %dma_wait3A_86 = tpu.memref_slice %arg3[%add3A_56, %dma_wait3A_85] : memref<512x512xf32, #tpu.memory_space<hbm>> -> memref<1x512xf32, #tpu.memory_space<hbm>>
      %dma_wait3A_87 = tpu.memref_squeeze %dma_wait3A_86 : memref<1x512xf32, #tpu.memory_space<hbm>> -> memref<512xf32, #tpu.memory_space<hbm>>
      %dma_wait3A_88 = arith.constant 12288 : i32
      %dma_wait3A_89 = tpu.memref_slice %arg6[%dma_wait3A_88] : memref<16384xf32, #tpu.memory_space<vmem>> -> memref<512xf32, #tpu.memory_space<vmem>>
      tpu.wait_dma2 semaphore(%run_scoped3A_71 : memref<!tpu.dma_semaphore, #tpu.memory_space<semaphore_mem>>) src(%dma_wait3A_89 : memref<512xf32, #tpu.memory_space<vmem>>) dst(%dma_wait3A_87 : memref<512xf32, #tpu.memory_space<hbm>>)
      tpu.yield
    }) : () -> ()
    %add3A_57 = arith.constant 25 : i32
    %add3A_58 = arith.addi %mul3A_0, %add3A_57 : i32
    "tpu.region"() ({
      %run_scoped3A_71 = tpu.sem_alloc : memref<!tpu.dma_semaphore, #tpu.memory_space<semaphore_mem>>
      %dma_start3A = arith.constant 12800 : i32
      %dma_start3A_72 = tpu.memref_slice %arg6[%dma_start3A] : memref<16384xf32, #tpu.memory_space<vmem>> -> memref<512xf32, #tpu.memory_space<vmem>>
      %dma_start3A_73 = arith.constant 0 : i32
      %dma_start3A_74 = tpu.memref_slice %arg3[%add3A_58, %dma_start3A_73] : memref<512x512xf32, #tpu.memory_space<hbm>> -> memref<1x512xf32, #tpu.memory_space<hbm>>
      %dma_start3A_75 = tpu.memref_squeeze %dma_start3A_74 : memref<1x512xf32, #tpu.memory_space<hbm>> -> memref<512xf32, #tpu.memory_space<hbm>>
      %dma_start3A_76 = arith.constant 0 : i32
      %dma_start3A_77 = tpu.memref_slice %arg3[%add3A_58, %dma_start3A_76] : memref<512x512xf32, #tpu.memory_space<hbm>> -> memref<1x512xf32, #tpu.memory_space<hbm>>
      %dma_start3A_78 = tpu.memref_squeeze %dma_start3A_77 : memref<1x512xf32, #tpu.memory_space<hbm>> -> memref<512xf32, #tpu.memory_space<hbm>>
      %dma_start3A_79 = arith.constant 12800 : i32
      %dma_start3A_80 = tpu.memref_slice %arg6[%dma_start3A_79] : memref<16384xf32, #tpu.memory_space<vmem>> -> memref<512xf32, #tpu.memory_space<vmem>>
      tpu.enqueue_dma source(%dma_start3A_80 : memref<512xf32, #tpu.memory_space<vmem>>) target(%dma_start3A_78 : memref<512xf32, #tpu.memory_space<hbm>>) target_semaphore(%run_scoped3A_71 : memref<!tpu.dma_semaphore, #tpu.memory_space<semaphore_mem>>)
      %dma_wait3A = arith.constant 12800 : i32
      %dma_wait3A_81 = tpu.memref_slice %arg6[%dma_wait3A] : memref<16384xf32, #tpu.memory_space<vmem>> -> memref<512xf32, #tpu.memory_space<vmem>>
      %dma_wait3A_82 = arith.constant 0 : i32
      %dma_wait3A_83 = tpu.memref_slice %arg3[%add3A_58, %dma_wait3A_82] : memref<512x512xf32, #tpu.memory_space<hbm>> -> memref<1x512xf32, #tpu.memory_space<hbm>>
      %dma_wait3A_84 = tpu.memref_squeeze %dma_wait3A_83 : memref<1x512xf32, #tpu.memory_space<hbm>> -> memref<512xf32, #tpu.memory_space<hbm>>
      %dma_wait3A_85 = arith.constant 0 : i32
      %dma_wait3A_86 = tpu.memref_slice %arg3[%add3A_58, %dma_wait3A_85] : memref<512x512xf32, #tpu.memory_space<hbm>> -> memref<1x512xf32, #tpu.memory_space<hbm>>
      %dma_wait3A_87 = tpu.memref_squeeze %dma_wait3A_86 : memref<1x512xf32, #tpu.memory_space<hbm>> -> memref<512xf32, #tpu.memory_space<hbm>>
      %dma_wait3A_88 = arith.constant 12800 : i32
      %dma_wait3A_89 = tpu.memref_slice %arg6[%dma_wait3A_88] : memref<16384xf32, #tpu.memory_space<vmem>> -> memref<512xf32, #tpu.memory_space<vmem>>
      tpu.wait_dma2 semaphore(%run_scoped3A_71 : memref<!tpu.dma_semaphore, #tpu.memory_space<semaphore_mem>>) src(%dma_wait3A_89 : memref<512xf32, #tpu.memory_space<vmem>>) dst(%dma_wait3A_87 : memref<512xf32, #tpu.memory_space<hbm>>)
      tpu.yield
    }) : () -> ()
    %add3A_59 = arith.constant 26 : i32
    %add3A_60 = arith.addi %mul3A_0, %add3A_59 : i32
    "tpu.region"() ({
      %run_scoped3A_71 = tpu.sem_alloc : memref<!tpu.dma_semaphore, #tpu.memory_space<semaphore_mem>>
      %dma_start3A = arith.constant 13312 : i32
      %dma_start3A_72 = tpu.memref_slice %arg6[%dma_start3A] : memref<16384xf32, #tpu.memory_space<vmem>> -> memref<512xf32, #tpu.memory_space<vmem>>
      %dma_start3A_73 = arith.constant 0 : i32
      %dma_start3A_74 = tpu.memref_slice %arg3[%add3A_60, %dma_start3A_73] : memref<512x512xf32, #tpu.memory_space<hbm>> -> memref<1x512xf32, #tpu.memory_space<hbm>>
      %dma_start3A_75 = tpu.memref_squeeze %dma_start3A_74 : memref<1x512xf32, #tpu.memory_space<hbm>> -> memref<512xf32, #tpu.memory_space<hbm>>
      %dma_start3A_76 = arith.constant 0 : i32
      %dma_start3A_77 = tpu.memref_slice %arg3[%add3A_60, %dma_start3A_76] : memref<512x512xf32, #tpu.memory_space<hbm>> -> memref<1x512xf32, #tpu.memory_space<hbm>>
      %dma_start3A_78 = tpu.memref_squeeze %dma_start3A_77 : memref<1x512xf32, #tpu.memory_space<hbm>> -> memref<512xf32, #tpu.memory_space<hbm>>
      %dma_start3A_79 = arith.constant 13312 : i32
      %dma_start3A_80 = tpu.memref_slice %arg6[%dma_start3A_79] : memref<16384xf32, #tpu.memory_space<vmem>> -> memref<512xf32, #tpu.memory_space<vmem>>
      tpu.enqueue_dma source(%dma_start3A_80 : memref<512xf32, #tpu.memory_space<vmem>>) target(%dma_start3A_78 : memref<512xf32, #tpu.memory_space<hbm>>) target_semaphore(%run_scoped3A_71 : memref<!tpu.dma_semaphore, #tpu.memory_space<semaphore_mem>>)
      %dma_wait3A = arith.constant 13312 : i32
      %dma_wait3A_81 = tpu.memref_slice %arg6[%dma_wait3A] : memref<16384xf32, #tpu.memory_space<vmem>> -> memref<512xf32, #tpu.memory_space<vmem>>
      %dma_wait3A_82 = arith.constant 0 : i32
      %dma_wait3A_83 = tpu.memref_slice %arg3[%add3A_60, %dma_wait3A_82] : memref<512x512xf32, #tpu.memory_space<hbm>> -> memref<1x512xf32, #tpu.memory_space<hbm>>
      %dma_wait3A_84 = tpu.memref_squeeze %dma_wait3A_83 : memref<1x512xf32, #tpu.memory_space<hbm>> -> memref<512xf32, #tpu.memory_space<hbm>>
      %dma_wait3A_85 = arith.constant 0 : i32
      %dma_wait3A_86 = tpu.memref_slice %arg3[%add3A_60, %dma_wait3A_85] : memref<512x512xf32, #tpu.memory_space<hbm>> -> memref<1x512xf32, #tpu.memory_space<hbm>>
      %dma_wait3A_87 = tpu.memref_squeeze %dma_wait3A_86 : memref<1x512xf32, #tpu.memory_space<hbm>> -> memref<512xf32, #tpu.memory_space<hbm>>
      %dma_wait3A_88 = arith.constant 13312 : i32
      %dma_wait3A_89 = tpu.memref_slice %arg6[%dma_wait3A_88] : memref<16384xf32, #tpu.memory_space<vmem>> -> memref<512xf32, #tpu.memory_space<vmem>>
      tpu.wait_dma2 semaphore(%run_scoped3A_71 : memref<!tpu.dma_semaphore, #tpu.memory_space<semaphore_mem>>) src(%dma_wait3A_89 : memref<512xf32, #tpu.memory_space<vmem>>) dst(%dma_wait3A_87 : memref<512xf32, #tpu.memory_space<hbm>>)
      tpu.yield
    }) : () -> ()
    %add3A_61 = arith.constant 27 : i32
    %add3A_62 = arith.addi %mul3A_0, %add3A_61 : i32
    "tpu.region"() ({
      %run_scoped3A_71 = tpu.sem_alloc : memref<!tpu.dma_semaphore, #tpu.memory_space<semaphore_mem>>
      %dma_start3A = arith.constant 13824 : i32
      %dma_start3A_72 = tpu.memref_slice %arg6[%dma_start3A] : memref<16384xf32, #tpu.memory_space<vmem>> -> memref<512xf32, #tpu.memory_space<vmem>>
      %dma_start3A_73 = arith.constant 0 : i32
      %dma_start3A_74 = tpu.memref_slice %arg3[%add3A_62, %dma_start3A_73] : memref<512x512xf32, #tpu.memory_space<hbm>> -> memref<1x512xf32, #tpu.memory_space<hbm>>
      %dma_start3A_75 = tpu.memref_squeeze %dma_start3A_74 : memref<1x512xf32, #tpu.memory_space<hbm>> -> memref<512xf32, #tpu.memory_space<hbm>>
      %dma_start3A_76 = arith.constant 0 : i32
      %dma_start3A_77 = tpu.memref_slice %arg3[%add3A_62, %dma_start3A_76] : memref<512x512xf32, #tpu.memory_space<hbm>> -> memref<1x512xf32, #tpu.memory_space<hbm>>
      %dma_start3A_78 = tpu.memref_squeeze %dma_start3A_77 : memref<1x512xf32, #tpu.memory_space<hbm>> -> memref<512xf32, #tpu.memory_space<hbm>>
      %dma_start3A_79 = arith.constant 13824 : i32
      %dma_start3A_80 = tpu.memref_slice %arg6[%dma_start3A_79] : memref<16384xf32, #tpu.memory_space<vmem>> -> memref<512xf32, #tpu.memory_space<vmem>>
      tpu.enqueue_dma source(%dma_start3A_80 : memref<512xf32, #tpu.memory_space<vmem>>) target(%dma_start3A_78 : memref<512xf32, #tpu.memory_space<hbm>>) target_semaphore(%run_scoped3A_71 : memref<!tpu.dma_semaphore, #tpu.memory_space<semaphore_mem>>)
      %dma_wait3A = arith.constant 13824 : i32
      %dma_wait3A_81 = tpu.memref_slice %arg6[%dma_wait3A] : memref<16384xf32, #tpu.memory_space<vmem>> -> memref<512xf32, #tpu.memory_space<vmem>>
      %dma_wait3A_82 = arith.constant 0 : i32
      %dma_wait3A_83 = tpu.memref_slice %arg3[%add3A_62, %dma_wait3A_82] : memref<512x512xf32, #tpu.memory_space<hbm>> -> memref<1x512xf32, #tpu.memory_space<hbm>>
      %dma_wait3A_84 = tpu.memref_squeeze %dma_wait3A_83 : memref<1x512xf32, #tpu.memory_space<hbm>> -> memref<512xf32, #tpu.memory_space<hbm>>
      %dma_wait3A_85 = arith.constant 0 : i32
      %dma_wait3A_86 = tpu.memref_slice %arg3[%add3A_62, %dma_wait3A_85] : memref<512x512xf32, #tpu.memory_space<hbm>> -> memref<1x512xf32, #tpu.memory_space<hbm>>
      %dma_wait3A_87 = tpu.memref_squeeze %dma_wait3A_86 : memref<1x512xf32, #tpu.memory_space<hbm>> -> memref<512xf32, #tpu.memory_space<hbm>>
      %dma_wait3A_88 = arith.constant 13824 : i32
      %dma_wait3A_89 = tpu.memref_slice %arg6[%dma_wait3A_88] : memref<16384xf32, #tpu.memory_space<vmem>> -> memref<512xf32, #tpu.memory_space<vmem>>
      tpu.wait_dma2 semaphore(%run_scoped3A_71 : memref<!tpu.dma_semaphore, #tpu.memory_space<semaphore_mem>>) src(%dma_wait3A_89 : memref<512xf32, #tpu.memory_space<vmem>>) dst(%dma_wait3A_87 : memref<512xf32, #tpu.memory_space<hbm>>)
      tpu.yield
    }) : () -> ()
    %add3A_63 = arith.constant 28 : i32
    %add3A_64 = arith.addi %mul3A_0, %add3A_63 : i32
    "tpu.region"() ({
      %run_scoped3A_71 = tpu.sem_alloc : memref<!tpu.dma_semaphore, #tpu.memory_space<semaphore_mem>>
      %dma_start3A = arith.constant 14336 : i32
      %dma_start3A_72 = tpu.memref_slice %arg6[%dma_start3A] : memref<16384xf32, #tpu.memory_space<vmem>> -> memref<512xf32, #tpu.memory_space<vmem>>
      %dma_start3A_73 = arith.constant 0 : i32
      %dma_start3A_74 = tpu.memref_slice %arg3[%add3A_64, %dma_start3A_73] : memref<512x512xf32, #tpu.memory_space<hbm>> -> memref<1x512xf32, #tpu.memory_space<hbm>>
      %dma_start3A_75 = tpu.memref_squeeze %dma_start3A_74 : memref<1x512xf32, #tpu.memory_space<hbm>> -> memref<512xf32, #tpu.memory_space<hbm>>
      %dma_start3A_76 = arith.constant 0 : i32
      %dma_start3A_77 = tpu.memref_slice %arg3[%add3A_64, %dma_start3A_76] : memref<512x512xf32, #tpu.memory_space<hbm>> -> memref<1x512xf32, #tpu.memory_space<hbm>>
      %dma_start3A_78 = tpu.memref_squeeze %dma_start3A_77 : memref<1x512xf32, #tpu.memory_space<hbm>> -> memref<512xf32, #tpu.memory_space<hbm>>
      %dma_start3A_79 = arith.constant 14336 : i32
      %dma_start3A_80 = tpu.memref_slice %arg6[%dma_start3A_79] : memref<16384xf32, #tpu.memory_space<vmem>> -> memref<512xf32, #tpu.memory_space<vmem>>
      tpu.enqueue_dma source(%dma_start3A_80 : memref<512xf32, #tpu.memory_space<vmem>>) target(%dma_start3A_78 : memref<512xf32, #tpu.memory_space<hbm>>) target_semaphore(%run_scoped3A_71 : memref<!tpu.dma_semaphore, #tpu.memory_space<semaphore_mem>>)
      %dma_wait3A = arith.constant 14336 : i32
      %dma_wait3A_81 = tpu.memref_slice %arg6[%dma_wait3A] : memref<16384xf32, #tpu.memory_space<vmem>> -> memref<512xf32, #tpu.memory_space<vmem>>
      %dma_wait3A_82 = arith.constant 0 : i32
      %dma_wait3A_83 = tpu.memref_slice %arg3[%add3A_64, %dma_wait3A_82] : memref<512x512xf32, #tpu.memory_space<hbm>> -> memref<1x512xf32, #tpu.memory_space<hbm>>
      %dma_wait3A_84 = tpu.memref_squeeze %dma_wait3A_83 : memref<1x512xf32, #tpu.memory_space<hbm>> -> memref<512xf32, #tpu.memory_space<hbm>>
      %dma_wait3A_85 = arith.constant 0 : i32
      %dma_wait3A_86 = tpu.memref_slice %arg3[%add3A_64, %dma_wait3A_85] : memref<512x512xf32, #tpu.memory_space<hbm>> -> memref<1x512xf32, #tpu.memory_space<hbm>>
      %dma_wait3A_87 = tpu.memref_squeeze %dma_wait3A_86 : memref<1x512xf32, #tpu.memory_space<hbm>> -> memref<512xf32, #tpu.memory_space<hbm>>
      %dma_wait3A_88 = arith.constant 14336 : i32
      %dma_wait3A_89 = tpu.memref_slice %arg6[%dma_wait3A_88] : memref<16384xf32, #tpu.memory_space<vmem>> -> memref<512xf32, #tpu.memory_space<vmem>>
      tpu.wait_dma2 semaphore(%run_scoped3A_71 : memref<!tpu.dma_semaphore, #tpu.memory_space<semaphore_mem>>) src(%dma_wait3A_89 : memref<512xf32, #tpu.memory_space<vmem>>) dst(%dma_wait3A_87 : memref<512xf32, #tpu.memory_space<hbm>>)
      tpu.yield
    }) : () -> ()
    %add3A_65 = arith.constant 29 : i32
    %add3A_66 = arith.addi %mul3A_0, %add3A_65 : i32
    "tpu.region"() ({
      %run_scoped3A_71 = tpu.sem_alloc : memref<!tpu.dma_semaphore, #tpu.memory_space<semaphore_mem>>
      %dma_start3A = arith.constant 14848 : i32
      %dma_start3A_72 = tpu.memref_slice %arg6[%dma_start3A] : memref<16384xf32, #tpu.memory_space<vmem>> -> memref<512xf32, #tpu.memory_space<vmem>>
      %dma_start3A_73 = arith.constant 0 : i32
      %dma_start3A_74 = tpu.memref_slice %arg3[%add3A_66, %dma_start3A_73] : memref<512x512xf32, #tpu.memory_space<hbm>> -> memref<1x512xf32, #tpu.memory_space<hbm>>
      %dma_start3A_75 = tpu.memref_squeeze %dma_start3A_74 : memref<1x512xf32, #tpu.memory_space<hbm>> -> memref<512xf32, #tpu.memory_space<hbm>>
      %dma_start3A_76 = arith.constant 0 : i32
      %dma_start3A_77 = tpu.memref_slice %arg3[%add3A_66, %dma_start3A_76] : memref<512x512xf32, #tpu.memory_space<hbm>> -> memref<1x512xf32, #tpu.memory_space<hbm>>
      %dma_start3A_78 = tpu.memref_squeeze %dma_start3A_77 : memref<1x512xf32, #tpu.memory_space<hbm>> -> memref<512xf32, #tpu.memory_space<hbm>>
      %dma_start3A_79 = arith.constant 14848 : i32
      %dma_start3A_80 = tpu.memref_slice %arg6[%dma_start3A_79] : memref<16384xf32, #tpu.memory_space<vmem>> -> memref<512xf32, #tpu.memory_space<vmem>>
      tpu.enqueue_dma source(%dma_start3A_80 : memref<512xf32, #tpu.memory_space<vmem>>) target(%dma_start3A_78 : memref<512xf32, #tpu.memory_space<hbm>>) target_semaphore(%run_scoped3A_71 : memref<!tpu.dma_semaphore, #tpu.memory_space<semaphore_mem>>)
      %dma_wait3A = arith.constant 14848 : i32
      %dma_wait3A_81 = tpu.memref_slice %arg6[%dma_wait3A] : memref<16384xf32, #tpu.memory_space<vmem>> -> memref<512xf32, #tpu.memory_space<vmem>>
      %dma_wait3A_82 = arith.constant 0 : i32
      %dma_wait3A_83 = tpu.memref_slice %arg3[%add3A_66, %dma_wait3A_82] : memref<512x512xf32, #tpu.memory_space<hbm>> -> memref<1x512xf32, #tpu.memory_space<hbm>>
      %dma_wait3A_84 = tpu.memref_squeeze %dma_wait3A_83 : memref<1x512xf32, #tpu.memory_space<hbm>> -> memref<512xf32, #tpu.memory_space<hbm>>
      %dma_wait3A_85 = arith.constant 0 : i32
      %dma_wait3A_86 = tpu.memref_slice %arg3[%add3A_66, %dma_wait3A_85] : memref<512x512xf32, #tpu.memory_space<hbm>> -> memref<1x512xf32, #tpu.memory_space<hbm>>
      %dma_wait3A_87 = tpu.memref_squeeze %dma_wait3A_86 : memref<1x512xf32, #tpu.memory_space<hbm>> -> memref<512xf32, #tpu.memory_space<hbm>>
      %dma_wait3A_88 = arith.constant 14848 : i32
      %dma_wait3A_89 = tpu.memref_slice %arg6[%dma_wait3A_88] : memref<16384xf32, #tpu.memory_space<vmem>> -> memref<512xf32, #tpu.memory_space<vmem>>
      tpu.wait_dma2 semaphore(%run_scoped3A_71 : memref<!tpu.dma_semaphore, #tpu.memory_space<semaphore_mem>>) src(%dma_wait3A_89 : memref<512xf32, #tpu.memory_space<vmem>>) dst(%dma_wait3A_87 : memref<512xf32, #tpu.memory_space<hbm>>)
      tpu.yield
    }) : () -> ()
    %add3A_67 = arith.constant 30 : i32
    %add3A_68 = arith.addi %mul3A_0, %add3A_67 : i32
    "tpu.region"() ({
      %run_scoped3A_71 = tpu.sem_alloc : memref<!tpu.dma_semaphore, #tpu.memory_space<semaphore_mem>>
      %dma_start3A = arith.constant 15360 : i32
      %dma_start3A_72 = tpu.memref_slice %arg6[%dma_start3A] : memref<16384xf32, #tpu.memory_space<vmem>> -> memref<512xf32, #tpu.memory_space<vmem>>
      %dma_start3A_73 = arith.constant 0 : i32
      %dma_start3A_74 = tpu.memref_slice %arg3[%add3A_68, %dma_start3A_73] : memref<512x512xf32, #tpu.memory_space<hbm>> -> memref<1x512xf32, #tpu.memory_space<hbm>>
      %dma_start3A_75 = tpu.memref_squeeze %dma_start3A_74 : memref<1x512xf32, #tpu.memory_space<hbm>> -> memref<512xf32, #tpu.memory_space<hbm>>
      %dma_start3A_76 = arith.constant 0 : i32
      %dma_start3A_77 = tpu.memref_slice %arg3[%add3A_68, %dma_start3A_76] : memref<512x512xf32, #tpu.memory_space<hbm>> -> memref<1x512xf32, #tpu.memory_space<hbm>>
      %dma_start3A_78 = tpu.memref_squeeze %dma_start3A_77 : memref<1x512xf32, #tpu.memory_space<hbm>> -> memref<512xf32, #tpu.memory_space<hbm>>
      %dma_start3A_79 = arith.constant 15360 : i32
      %dma_start3A_80 = tpu.memref_slice %arg6[%dma_start3A_79] : memref<16384xf32, #tpu.memory_space<vmem>> -> memref<512xf32, #tpu.memory_space<vmem>>
      tpu.enqueue_dma source(%dma_start3A_80 : memref<512xf32, #tpu.memory_space<vmem>>) target(%dma_start3A_78 : memref<512xf32, #tpu.memory_space<hbm>>) target_semaphore(%run_scoped3A_71 : memref<!tpu.dma_semaphore, #tpu.memory_space<semaphore_mem>>)
      %dma_wait3A = arith.constant 15360 : i32
      %dma_wait3A_81 = tpu.memref_slice %arg6[%dma_wait3A] : memref<16384xf32, #tpu.memory_space<vmem>> -> memref<512xf32, #tpu.memory_space<vmem>>
      %dma_wait3A_82 = arith.constant 0 : i32
      %dma_wait3A_83 = tpu.memref_slice %arg3[%add3A_68, %dma_wait3A_82] : memref<512x512xf32, #tpu.memory_space<hbm>> -> memref<1x512xf32, #tpu.memory_space<hbm>>
      %dma_wait3A_84 = tpu.memref_squeeze %dma_wait3A_83 : memref<1x512xf32, #tpu.memory_space<hbm>> -> memref<512xf32, #tpu.memory_space<hbm>>
      %dma_wait3A_85 = arith.constant 0 : i32
      %dma_wait3A_86 = tpu.memref_slice %arg3[%add3A_68, %dma_wait3A_85] : memref<512x512xf32, #tpu.memory_space<hbm>> -> memref<1x512xf32, #tpu.memory_space<hbm>>
      %dma_wait3A_87 = tpu.memref_squeeze %dma_wait3A_86 : memref<1x512xf32, #tpu.memory_space<hbm>> -> memref<512xf32, #tpu.memory_space<hbm>>
      %dma_wait3A_88 = arith.constant 15360 : i32
      %dma_wait3A_89 = tpu.memref_slice %arg6[%dma_wait3A_88] : memref<16384xf32, #tpu.memory_space<vmem>> -> memref<512xf32, #tpu.memory_space<vmem>>
      tpu.wait_dma2 semaphore(%run_scoped3A_71 : memref<!tpu.dma_semaphore, #tpu.memory_space<semaphore_mem>>) src(%dma_wait3A_89 : memref<512xf32, #tpu.memory_space<vmem>>) dst(%dma_wait3A_87 : memref<512xf32, #tpu.memory_space<hbm>>)
      tpu.yield
    }) : () -> ()
    %add3A_69 = arith.constant 31 : i32
    %add3A_70 = arith.addi %mul3A_0, %add3A_69 : i32
    "tpu.region"() ({
      %run_scoped3A_71 = tpu.sem_alloc : memref<!tpu.dma_semaphore, #tpu.memory_space<semaphore_mem>>
      %dma_start3A = arith.constant 15872 : i32
      %dma_start3A_72 = tpu.memref_slice %arg6[%dma_start3A] : memref<16384xf32, #tpu.memory_space<vmem>> -> memref<512xf32, #tpu.memory_space<vmem>>
      %dma_start3A_73 = arith.constant 0 : i32
      %dma_start3A_74 = tpu.memref_slice %arg3[%add3A_70, %dma_start3A_73] : memref<512x512xf32, #tpu.memory_space<hbm>> -> memref<1x512xf32, #tpu.memory_space<hbm>>
      %dma_start3A_75 = tpu.memref_squeeze %dma_start3A_74 : memref<1x512xf32, #tpu.memory_space<hbm>> -> memref<512xf32, #tpu.memory_space<hbm>>
      %dma_start3A_76 = arith.constant 0 : i32
      %dma_start3A_77 = tpu.memref_slice %arg3[%add3A_70, %dma_start3A_76] : memref<512x512xf32, #tpu.memory_space<hbm>> -> memref<1x512xf32, #tpu.memory_space<hbm>>
      %dma_start3A_78 = tpu.memref_squeeze %dma_start3A_77 : memref<1x512xf32, #tpu.memory_space<hbm>> -> memref<512xf32, #tpu.memory_space<hbm>>
      %dma_start3A_79 = arith.constant 15872 : i32
      %dma_start3A_80 = tpu.memref_slice %arg6[%dma_start3A_79] : memref<16384xf32, #tpu.memory_space<vmem>> -> memref<512xf32, #tpu.memory_space<vmem>>
      tpu.enqueue_dma source(%dma_start3A_80 : memref<512xf32, #tpu.memory_space<vmem>>) target(%dma_start3A_78 : memref<512xf32, #tpu.memory_space<hbm>>) target_semaphore(%run_scoped3A_71 : memref<!tpu.dma_semaphore, #tpu.memory_space<semaphore_mem>>)
      %dma_wait3A = arith.constant 15872 : i32
      %dma_wait3A_81 = tpu.memref_slice %arg6[%dma_wait3A] : memref<16384xf32, #tpu.memory_space<vmem>> -> memref<512xf32, #tpu.memory_space<vmem>>
      %dma_wait3A_82 = arith.constant 0 : i32
      %dma_wait3A_83 = tpu.memref_slice %arg3[%add3A_70, %dma_wait3A_82] : memref<512x512xf32, #tpu.memory_space<hbm>> -> memref<1x512xf32, #tpu.memory_space<hbm>>
      %dma_wait3A_84 = tpu.memref_squeeze %dma_wait3A_83 : memref<1x512xf32, #tpu.memory_space<hbm>> -> memref<512xf32, #tpu.memory_space<hbm>>
      %dma_wait3A_85 = arith.constant 0 : i32
      %dma_wait3A_86 = tpu.memref_slice %arg3[%add3A_70, %dma_wait3A_85] : memref<512x512xf32, #tpu.memory_space<hbm>> -> memref<1x512xf32, #tpu.memory_space<hbm>>
      %dma_wait3A_87 = tpu.memref_squeeze %dma_wait3A_86 : memref<1x512xf32, #tpu.memory_space<hbm>> -> memref<512xf32, #tpu.memory_space<hbm>>
      %dma_wait3A_88 = arith.constant 15872 : i32
      %dma_wait3A_89 = tpu.memref_slice %arg6[%dma_wait3A_88] : memref<16384xf32, #tpu.memory_space<vmem>> -> memref<512xf32, #tpu.memory_space<vmem>>
      tpu.wait_dma2 semaphore(%run_scoped3A_71 : memref<!tpu.dma_semaphore, #tpu.memory_space<semaphore_mem>>) src(%dma_wait3A_89 : memref<512xf32, #tpu.memory_space<vmem>>) dst(%dma_wait3A_87 : memref<512xf32, #tpu.memory_space<hbm>>)
      tpu.yield
    }) : () -> ()
    return
  }
}

module attributes {stable_mosaic.version = 14 : i64} {
  func.func @_fused_body(%arg0: i32, %arg1: memref<512x256xf32, #tpu.memory_space<vmem>>, %arg2: memref<256x512xf32, #tpu.memory_space<vmem>>, %arg3: memref<512x4xf32, #tpu.memory_space<vmem>>, %arg4: memref<512x4xf32, #tpu.memory_space<vmem>>, %arg5: memref<1x512xf32, #tpu.memory_space<vmem>>, %arg6: memref<512x512xf32, #tpu.memory_space<vmem>>, %arg7: memref<512x4xf32, #tpu.memory_space<vmem>>, %arg8: memref<512x4xf32, #tpu.memory_space<vmem>>, %arg9: memref<1x512xf32, #tpu.memory_space<vmem>>, %arg10: memref<512x512xf32, #tpu.memory_space<vmem>>, %arg11: memref<128x128xf32, #tpu.memory_space<vmem>>, %arg12: memref<128x128xf32, #tpu.memory_space<vmem>>, %arg13: memref<1x128xf32, #tpu.memory_space<vmem>>, %arg14: memref<128x128xf32, #tpu.memory_space<vmem>>, %arg15: memref<1x128xf32, #tpu.memory_space<vmem>>, %arg16: memref<8x128xf32, #tpu.memory_space<vmem>>, %arg17: memref<1x1xf32, #tpu.memory_space<vmem>>, %arg18: memref<32768xf32, #tpu.memory_space<vmem>>, %arg19: memref<512x128xbf16, #tpu.memory_space<vmem>>, %arg20: memref<512x128xbf16, #tpu.memory_space<vmem>>) attributes {dimension_semantics = [#tpu.dimension_semantics<arbitrary>], iteration_bounds = array<i64: 8>, scalar_prefetch = 0 : i64, scratch_operands = 2 : i64, tpu.core_type = #tpu.core_type<tc>, window_params = [{pipeline_mode = #tpu.pipeline_mode<synchronous>, transform_indices = @transform_0, window_bounds = array<i64: 512, 256>}, {pipeline_mode = #tpu.pipeline_mode<synchronous>, transform_indices = @transform_1, window_bounds = array<i64: 256, 512>}, {pipeline_mode = #tpu.pipeline_mode<synchronous>, transform_indices = @transform_2, window_bounds = array<i64: 512, 4>}, {pipeline_mode = #tpu.pipeline_mode<synchronous>, transform_indices = @transform_3, window_bounds = array<i64: 512, 4>}, {pipeline_mode = #tpu.pipeline_mode<synchronous>, transform_indices = @transform_4, window_bounds = array<i64: 1, 512>}, {pipeline_mode = #tpu.pipeline_mode<synchronous>, transform_indices = @transform_5, window_bounds = array<i64: 512, 512>}, {pipeline_mode = #tpu.pipeline_mode<synchronous>, transform_indices = @transform_6, window_bounds = array<i64: 512, 4>}, {pipeline_mode = #tpu.pipeline_mode<synchronous>, transform_indices = @transform_7, window_bounds = array<i64: 512, 4>}, {pipeline_mode = #tpu.pipeline_mode<synchronous>, transform_indices = @transform_8, window_bounds = array<i64: 1, 512>}, {pipeline_mode = #tpu.pipeline_mode<synchronous>, transform_indices = @transform_9, window_bounds = array<i64: 512, 512>}, {pipeline_mode = #tpu.pipeline_mode<synchronous>, transform_indices = @transform_10, window_bounds = array<i64: 128, 128>}, {pipeline_mode = #tpu.pipeline_mode<synchronous>, transform_indices = @transform_11, window_bounds = array<i64: 128, 128>}, {pipeline_mode = #tpu.pipeline_mode<synchronous>, transform_indices = @transform_12, window_bounds = array<i64: 1, 128>}, {pipeline_mode = #tpu.pipeline_mode<synchronous>, transform_indices = @transform_13, window_bounds = array<i64: 128, 128>}, {pipeline_mode = #tpu.pipeline_mode<synchronous>, transform_indices = @transform_14, window_bounds = array<i64: 1, 128>}, {pipeline_mode = #tpu.pipeline_mode<synchronous>, transform_indices = @transform_15, window_bounds = array<i64: 8, 128>}, {pipeline_mode = #tpu.pipeline_mode<synchronous>, transform_indices = @transform_16, window_bounds = array<i64: 1, 1>}, {transform_indices = @transform_17, window_bounds = array<i64: 32768>}]} {
    %eq3A = arith.constant 0 : i32
    %eq3A_0 = arith.cmpi eq, %arg0, %eq3A : i32
    %convert_element_type3A = arith.extui %eq3A_0 : i1 to i32
    %cond3A = arith.constant 0 : i32
    %cond3A_1 = arith.cmpi ne, %convert_element_type3A, %cond3A : i32
    scf.if %cond3A_1 {
      %get3A_47 = arith.constant 0 : index
      %get3A_48 = arith.constant 0 : index
      %get3A_49 = vector.load %arg10[%get3A_47, %get3A_48] : memref<512x512xf32, #tpu.memory_space<vmem>>, vector<512x512xf32>
      %gt3A = arith.constant 0.000000e+00 : f32
      %gt3A_50 = vector.broadcast %gt3A : f32 to vector<512x512xf32>
      %gt3A_51 = arith.cmpf ogt, %get3A_49, %gt3A_50 : vector<512x512xf32>
      %get3A_52 = arith.constant 0 : index
      %get3A_53 = arith.constant 0 : index
      %get3A_54 = vector.load %arg1[%get3A_52, %get3A_53] : memref<512x256xf32, #tpu.memory_space<vmem>>, vector<512x256xf32>
      %get3A_55 = arith.constant 0 : index
      %get3A_56 = arith.constant 0 : index
      %get3A_57 = vector.load %arg2[%get3A_55, %get3A_56] : memref<256x512xf32, #tpu.memory_space<vmem>>, vector<256x512xf32>
      %dot_general3A_58 = arith.constant dense<0.000000e+00> : vector<512x512xf32>
      %dot_general3A_59 = tpu.matmul %get3A_54, %get3A_57, %dot_general3A_58 {dimension_numbers = #tpu.dot_dimension_numbers<[1], [0], [0], [1], [0, 0, 1, 1], [], []>, transpose_lhs_hint = false} : vector<512x256xf32>, vector<256x512xf32>, vector<512x512xf32> -> vector<512x512xf32>
      %get3A_60 = arith.constant 0 : index
      %get3A_61 = arith.constant 0 : index
      %get3A_62 = vector.load %arg3[%get3A_60, %get3A_61] : memref<512x4xf32, #tpu.memory_space<vmem>>, vector<512x4xf32>
      %get3A_63 = arith.constant 0 : index
      %get3A_64 = arith.constant 0 : index
      %get3A_65 = vector.load %arg4[%get3A_63, %get3A_64] : memref<512x4xf32, #tpu.memory_space<vmem>>, vector<512x4xf32>
      %dot_general3A_66 = arith.constant dense<0.000000e+00> : vector<512x4xf32>
      %dot_general3A_67 = tpu.matmul %dot_general3A_59, %get3A_62, %dot_general3A_66 {dimension_numbers = #tpu.dot_dimension_numbers<[1], [0], [0], [1], [0, 0, 1, 1], [], []>, transpose_lhs_hint = false} : vector<512x512xf32>, vector<512x4xf32>, vector<512x4xf32> -> vector<512x4xf32>
      %dot_general3A_68 = arith.constant dense<0.000000e+00> : vector<512x4xf32>
      %dot_general3A_69 = tpu.matmul %dot_general3A_59, %get3A_65, %dot_general3A_68 {dimension_numbers = #tpu.dot_dimension_numbers<[1], [0], [0], [1], [0, 0, 1, 1], [], []>, transpose_lhs_hint = false} : vector<512x512xf32>, vector<512x4xf32>, vector<512x4xf32> -> vector<512x4xf32>
      %transpose3A = tpu.transpose %dot_general3A_67, [1, 0] : vector<512x4xf32> -> vector<4x512xf32>
      %slice3A_70 = vector.extract_strided_slice %dot_general3A_59 {offsets = [0, 0], sizes = [512, 128], strides = [1, 1]} : vector<512x512xf32> to vector<512x128xf32>
      %slice3A_71 = vector.extract_strided_slice %transpose3A {offsets = [0, 0], sizes = [1, 512], strides = [1, 1]} : vector<4x512xf32> to vector<1x512xf32>
      %slice3A_72 = vector.extract_strided_slice %dot_general3A_69 {offsets = [0, 0], sizes = [512, 1], strides = [1, 1]} : vector<512x4xf32> to vector<512x1xf32>
      %add3A_73 = vector.broadcast %slice3A_71 : vector<1x512xf32> to vector<512x512xf32>
      %add3A_74 = vector.broadcast %slice3A_72 : vector<512x1xf32> to vector<512x512xf32>
      %add3A_75 = arith.addf %add3A_73, %add3A_74 : vector<512x512xf32>
      %ge3A = arith.constant 0.000000e+00 : f32
      %ge3A_76 = vector.broadcast %ge3A : f32 to vector<512x512xf32>
      %ge3A_77 = arith.cmpf oge, %add3A_75, %ge3A_76 : vector<512x512xf32>
      %mul3A_78 = arith.constant 2.000000e-01 : f32
      %mul3A_79 = vector.broadcast %mul3A_78 : f32 to vector<512x512xf32>
      %mul3A_80 = arith.mulf %mul3A_79, %add3A_75 : vector<512x512xf32>
      %select_n3A = arith.select %ge3A_77, %add3A_75, %mul3A_80 : vector<512x512xi1>, vector<512x512xf32>
      %jit3A = arith.constant -1.000000e+30 : f32
      %broadcast_in_dim3A_81 = vector.broadcast %jit3A : f32 to vector<512x512xf32>
      %select_n3A_82 = arith.select %gt3A_51, %select_n3A, %broadcast_in_dim3A_81 : vector<512x512xi1>, vector<512x512xf32>
      %reduce_max3A = arith.constant dense<0xFF800000> : vector<512xf32>
      %reduce_max3A_83 = vector.multi_reduction <maximumf>, %select_n3A_82, %reduce_max3A [1] : vector<512x512xf32> to vector<512xf32>
      %broadcast_in_dim3A_84 = vector.shape_cast %reduce_max3A_83 : vector<512xf32> to vector<512x1xf32>
      %gt3A_85 = arith.constant -1.000000e+29 : f32
      %gt3A_86 = vector.broadcast %gt3A_85 : f32 to vector<512x1xf32>
      %gt3A_87 = arith.cmpf ogt, %broadcast_in_dim3A_84, %gt3A_86 : vector<512x1xf32>
      %jit3A_88 = arith.constant 0.000000e+00 : f32
      %broadcast_in_dim3A_89 = vector.broadcast %jit3A_88 : f32 to vector<512x1xf32>
      %select_n3A_90 = arith.select %gt3A_87, %broadcast_in_dim3A_84, %broadcast_in_dim3A_89 : vector<512x1xi1>, vector<512x1xf32>
      %sub3A = vector.broadcast %select_n3A_90 : vector<512x1xf32> to vector<512x512xf32>
      %sub3A_91 = arith.subf %select_n3A, %sub3A : vector<512x512xf32>
      %exp3A_92 = math.exp %sub3A_91 : vector<512x512xf32>
      %jit3A_93 = arith.constant 0.000000e+00 : f32
      %broadcast_in_dim3A_94 = vector.broadcast %jit3A_93 : f32 to vector<512x512xf32>
      %select_n3A_95 = arith.select %gt3A_51, %exp3A_92, %broadcast_in_dim3A_94 : vector<512x512xi1>, vector<512x512xf32>
      %mul3A_96 = arith.mulf %select_n3A_95, %get3A_49 : vector<512x512xf32>
      %reduce_sum3A = arith.constant dense<0.000000e+00> : vector<512xf32>
      %reduce_sum3A_97 = vector.multi_reduction <add>, %mul3A_96, %reduce_sum3A [1] : vector<512x512xf32> to vector<512xf32>
      %broadcast_in_dim3A_98 = vector.shape_cast %reduce_sum3A_97 : vector<512xf32> to vector<512x1xf32>
      %gt3A_99 = arith.constant 0.000000e+00 : f32
      %gt3A_100 = vector.broadcast %gt3A_99 : f32 to vector<512x1xf32>
      %gt3A_101 = arith.cmpf ogt, %broadcast_in_dim3A_98, %gt3A_100 : vector<512x1xf32>
      %jit3A_102 = arith.constant 1.000000e+00 : f32
      %broadcast_in_dim3A_103 = vector.broadcast %jit3A_102 : f32 to vector<512x1xf32>
      %select_n3A_104 = arith.select %gt3A_101, %broadcast_in_dim3A_98, %broadcast_in_dim3A_103 : vector<512x1xi1>, vector<512x1xf32>
      %div3A_105 = vector.broadcast %select_n3A_104 : vector<512x1xf32> to vector<512x512xf32>
      %div3A_106 = arith.divf %mul3A_96, %div3A_105 : vector<512x512xf32>
      %dot_general3A_107 = arith.constant dense<0.000000e+00> : vector<512x128xf32>
      %dot_general3A_108 = tpu.matmul %div3A_106, %slice3A_70, %dot_general3A_107 {dimension_numbers = #tpu.dot_dimension_numbers<[1], [0], [0], [1], [0, 0, 1, 1], [], []>, transpose_lhs_hint = false} : vector<512x512xf32>, vector<512x128xf32>, vector<512x128xf32> -> vector<512x128xf32>
      %slice3A_109 = vector.extract_strided_slice %dot_general3A_59 {offsets = [0, 128], sizes = [512, 128], strides = [1, 1]} : vector<512x512xf32> to vector<512x128xf32>
      %slice3A_110 = vector.extract_strided_slice %transpose3A {offsets = [1, 0], sizes = [1, 512], strides = [1, 1]} : vector<4x512xf32> to vector<1x512xf32>
      %slice3A_111 = vector.extract_strided_slice %dot_general3A_69 {offsets = [0, 1], sizes = [512, 1], strides = [1, 1]} : vector<512x4xf32> to vector<512x1xf32>
      %add3A_112 = vector.broadcast %slice3A_110 : vector<1x512xf32> to vector<512x512xf32>
      %add3A_113 = vector.broadcast %slice3A_111 : vector<512x1xf32> to vector<512x512xf32>
      %add3A_114 = arith.addf %add3A_112, %add3A_113 : vector<512x512xf32>
      %ge3A_115 = arith.constant 0.000000e+00 : f32
      %ge3A_116 = vector.broadcast %ge3A_115 : f32 to vector<512x512xf32>
      %ge3A_117 = arith.cmpf oge, %add3A_114, %ge3A_116 : vector<512x512xf32>
      %mul3A_118 = arith.constant 2.000000e-01 : f32
      %mul3A_119 = vector.broadcast %mul3A_118 : f32 to vector<512x512xf32>
      %mul3A_120 = arith.mulf %mul3A_119, %add3A_114 : vector<512x512xf32>
      %select_n3A_121 = arith.select %ge3A_117, %add3A_114, %mul3A_120 : vector<512x512xi1>, vector<512x512xf32>
      %jit3A_122 = arith.constant -1.000000e+30 : f32
      %broadcast_in_dim3A_123 = vector.broadcast %jit3A_122 : f32 to vector<512x512xf32>
      %select_n3A_124 = arith.select %gt3A_51, %select_n3A_121, %broadcast_in_dim3A_123 : vector<512x512xi1>, vector<512x512xf32>
      %reduce_max3A_125 = arith.constant dense<0xFF800000> : vector<512xf32>
      %reduce_max3A_126 = vector.multi_reduction <maximumf>, %select_n3A_124, %reduce_max3A_125 [1] : vector<512x512xf32> to vector<512xf32>
      %broadcast_in_dim3A_127 = vector.shape_cast %reduce_max3A_126 : vector<512xf32> to vector<512x1xf32>
      %gt3A_128 = arith.constant -1.000000e+29 : f32
      %gt3A_129 = vector.broadcast %gt3A_128 : f32 to vector<512x1xf32>
      %gt3A_130 = arith.cmpf ogt, %broadcast_in_dim3A_127, %gt3A_129 : vector<512x1xf32>
      %jit3A_131 = arith.constant 0.000000e+00 : f32
      %broadcast_in_dim3A_132 = vector.broadcast %jit3A_131 : f32 to vector<512x1xf32>
      %select_n3A_133 = arith.select %gt3A_130, %broadcast_in_dim3A_127, %broadcast_in_dim3A_132 : vector<512x1xi1>, vector<512x1xf32>
      %sub3A_134 = vector.broadcast %select_n3A_133 : vector<512x1xf32> to vector<512x512xf32>
      %sub3A_135 = arith.subf %select_n3A_121, %sub3A_134 : vector<512x512xf32>
      %exp3A_136 = math.exp %sub3A_135 : vector<512x512xf32>
      %jit3A_137 = arith.constant 0.000000e+00 : f32
      %broadcast_in_dim3A_138 = vector.broadcast %jit3A_137 : f32 to vector<512x512xf32>
      %select_n3A_139 = arith.select %gt3A_51, %exp3A_136, %broadcast_in_dim3A_138 : vector<512x512xi1>, vector<512x512xf32>
      %mul3A_140 = arith.mulf %select_n3A_139, %get3A_49 : vector<512x512xf32>
      %reduce_sum3A_141 = arith.constant dense<0.000000e+00> : vector<512xf32>
      %reduce_sum3A_142 = vector.multi_reduction <add>, %mul3A_140, %reduce_sum3A_141 [1] : vector<512x512xf32> to vector<512xf32>
      %broadcast_in_dim3A_143 = vector.shape_cast %reduce_sum3A_142 : vector<512xf32> to vector<512x1xf32>
      %gt3A_144 = arith.constant 0.000000e+00 : f32
      %gt3A_145 = vector.broadcast %gt3A_144 : f32 to vector<512x1xf32>
      %gt3A_146 = arith.cmpf ogt, %broadcast_in_dim3A_143, %gt3A_145 : vector<512x1xf32>
      %jit3A_147 = arith.constant 1.000000e+00 : f32
      %broadcast_in_dim3A_148 = vector.broadcast %jit3A_147 : f32 to vector<512x1xf32>
      %select_n3A_149 = arith.select %gt3A_146, %broadcast_in_dim3A_143, %broadcast_in_dim3A_148 : vector<512x1xi1>, vector<512x1xf32>
      %div3A_150 = vector.broadcast %select_n3A_149 : vector<512x1xf32> to vector<512x512xf32>
      %div3A_151 = arith.divf %mul3A_140, %div3A_150 : vector<512x512xf32>
      %dot_general3A_152 = arith.constant dense<0.000000e+00> : vector<512x128xf32>
      %dot_general3A_153 = tpu.matmul %div3A_151, %slice3A_109, %dot_general3A_152 {dimension_numbers = #tpu.dot_dimension_numbers<[1], [0], [0], [1], [0, 0, 1, 1], [], []>, transpose_lhs_hint = false} : vector<512x512xf32>, vector<512x128xf32>, vector<512x128xf32> -> vector<512x128xf32>
      %slice3A_154 = vector.extract_strided_slice %dot_general3A_59 {offsets = [0, 256], sizes = [512, 128], strides = [1, 1]} : vector<512x512xf32> to vector<512x128xf32>
      %slice3A_155 = vector.extract_strided_slice %transpose3A {offsets = [2, 0], sizes = [1, 512], strides = [1, 1]} : vector<4x512xf32> to vector<1x512xf32>
      %slice3A_156 = vector.extract_strided_slice %dot_general3A_69 {offsets = [0, 2], sizes = [512, 1], strides = [1, 1]} : vector<512x4xf32> to vector<512x1xf32>
      %add3A_157 = vector.broadcast %slice3A_155 : vector<1x512xf32> to vector<512x512xf32>
      %add3A_158 = vector.broadcast %slice3A_156 : vector<512x1xf32> to vector<512x512xf32>
      %add3A_159 = arith.addf %add3A_157, %add3A_158 : vector<512x512xf32>
      %ge3A_160 = arith.constant 0.000000e+00 : f32
      %ge3A_161 = vector.broadcast %ge3A_160 : f32 to vector<512x512xf32>
      %ge3A_162 = arith.cmpf oge, %add3A_159, %ge3A_161 : vector<512x512xf32>
      %mul3A_163 = arith.constant 2.000000e-01 : f32
      %mul3A_164 = vector.broadcast %mul3A_163 : f32 to vector<512x512xf32>
      %mul3A_165 = arith.mulf %mul3A_164, %add3A_159 : vector<512x512xf32>
      %select_n3A_166 = arith.select %ge3A_162, %add3A_159, %mul3A_165 : vector<512x512xi1>, vector<512x512xf32>
      %jit3A_167 = arith.constant -1.000000e+30 : f32
      %broadcast_in_dim3A_168 = vector.broadcast %jit3A_167 : f32 to vector<512x512xf32>
      %select_n3A_169 = arith.select %gt3A_51, %select_n3A_166, %broadcast_in_dim3A_168 : vector<512x512xi1>, vector<512x512xf32>
      %reduce_max3A_170 = arith.constant dense<0xFF800000> : vector<512xf32>
      %reduce_max3A_171 = vector.multi_reduction <maximumf>, %select_n3A_169, %reduce_max3A_170 [1] : vector<512x512xf32> to vector<512xf32>
      %broadcast_in_dim3A_172 = vector.shape_cast %reduce_max3A_171 : vector<512xf32> to vector<512x1xf32>
      %gt3A_173 = arith.constant -1.000000e+29 : f32
      %gt3A_174 = vector.broadcast %gt3A_173 : f32 to vector<512x1xf32>
      %gt3A_175 = arith.cmpf ogt, %broadcast_in_dim3A_172, %gt3A_174 : vector<512x1xf32>
      %jit3A_176 = arith.constant 0.000000e+00 : f32
      %broadcast_in_dim3A_177 = vector.broadcast %jit3A_176 : f32 to vector<512x1xf32>
      %select_n3A_178 = arith.select %gt3A_175, %broadcast_in_dim3A_172, %broadcast_in_dim3A_177 : vector<512x1xi1>, vector<512x1xf32>
      %sub3A_179 = vector.broadcast %select_n3A_178 : vector<512x1xf32> to vector<512x512xf32>
      %sub3A_180 = arith.subf %select_n3A_166, %sub3A_179 : vector<512x512xf32>
      %exp3A_181 = math.exp %sub3A_180 : vector<512x512xf32>
      %jit3A_182 = arith.constant 0.000000e+00 : f32
      %broadcast_in_dim3A_183 = vector.broadcast %jit3A_182 : f32 to vector<512x512xf32>
      %select_n3A_184 = arith.select %gt3A_51, %exp3A_181, %broadcast_in_dim3A_183 : vector<512x512xi1>, vector<512x512xf32>
      %mul3A_185 = arith.mulf %select_n3A_184, %get3A_49 : vector<512x512xf32>
      %reduce_sum3A_186 = arith.constant dense<0.000000e+00> : vector<512xf32>
      %reduce_sum3A_187 = vector.multi_reduction <add>, %mul3A_185, %reduce_sum3A_186 [1] : vector<512x512xf32> to vector<512xf32>
      %broadcast_in_dim3A_188 = vector.shape_cast %reduce_sum3A_187 : vector<512xf32> to vector<512x1xf32>
      %gt3A_189 = arith.constant 0.000000e+00 : f32
      %gt3A_190 = vector.broadcast %gt3A_189 : f32 to vector<512x1xf32>
      %gt3A_191 = arith.cmpf ogt, %broadcast_in_dim3A_188, %gt3A_190 : vector<512x1xf32>
      %jit3A_192 = arith.constant 1.000000e+00 : f32
      %broadcast_in_dim3A_193 = vector.broadcast %jit3A_192 : f32 to vector<512x1xf32>
      %select_n3A_194 = arith.select %gt3A_191, %broadcast_in_dim3A_188, %broadcast_in_dim3A_193 : vector<512x1xi1>, vector<512x1xf32>
      %div3A_195 = vector.broadcast %select_n3A_194 : vector<512x1xf32> to vector<512x512xf32>
      %div3A_196 = arith.divf %mul3A_185, %div3A_195 : vector<512x512xf32>
      %dot_general3A_197 = arith.constant dense<0.000000e+00> : vector<512x128xf32>
      %dot_general3A_198 = tpu.matmul %div3A_196, %slice3A_154, %dot_general3A_197 {dimension_numbers = #tpu.dot_dimension_numbers<[1], [0], [0], [1], [0, 0, 1, 1], [], []>, transpose_lhs_hint = false} : vector<512x512xf32>, vector<512x128xf32>, vector<512x128xf32> -> vector<512x128xf32>
      %slice3A_199 = vector.extract_strided_slice %dot_general3A_59 {offsets = [0, 384], sizes = [512, 128], strides = [1, 1]} : vector<512x512xf32> to vector<512x128xf32>
      %slice3A_200 = vector.extract_strided_slice %transpose3A {offsets = [3, 0], sizes = [1, 512], strides = [1, 1]} : vector<4x512xf32> to vector<1x512xf32>
      %slice3A_201 = vector.extract_strided_slice %dot_general3A_69 {offsets = [0, 3], sizes = [512, 1], strides = [1, 1]} : vector<512x4xf32> to vector<512x1xf32>
      %add3A_202 = vector.broadcast %slice3A_200 : vector<1x512xf32> to vector<512x512xf32>
      %add3A_203 = vector.broadcast %slice3A_201 : vector<512x1xf32> to vector<512x512xf32>
      %add3A_204 = arith.addf %add3A_202, %add3A_203 : vector<512x512xf32>
      %ge3A_205 = arith.constant 0.000000e+00 : f32
      %ge3A_206 = vector.broadcast %ge3A_205 : f32 to vector<512x512xf32>
      %ge3A_207 = arith.cmpf oge, %add3A_204, %ge3A_206 : vector<512x512xf32>
      %mul3A_208 = arith.constant 2.000000e-01 : f32
      %mul3A_209 = vector.broadcast %mul3A_208 : f32 to vector<512x512xf32>
      %mul3A_210 = arith.mulf %mul3A_209, %add3A_204 : vector<512x512xf32>
      %select_n3A_211 = arith.select %ge3A_207, %add3A_204, %mul3A_210 : vector<512x512xi1>, vector<512x512xf32>
      %jit3A_212 = arith.constant -1.000000e+30 : f32
      %broadcast_in_dim3A_213 = vector.broadcast %jit3A_212 : f32 to vector<512x512xf32>
      %select_n3A_214 = arith.select %gt3A_51, %select_n3A_211, %broadcast_in_dim3A_213 : vector<512x512xi1>, vector<512x512xf32>
      %reduce_max3A_215 = arith.constant dense<0xFF800000> : vector<512xf32>
      %reduce_max3A_216 = vector.multi_reduction <maximumf>, %select_n3A_214, %reduce_max3A_215 [1] : vector<512x512xf32> to vector<512xf32>
      %broadcast_in_dim3A_217 = vector.shape_cast %reduce_max3A_216 : vector<512xf32> to vector<512x1xf32>
      %gt3A_218 = arith.constant -1.000000e+29 : f32
      %gt3A_219 = vector.broadcast %gt3A_218 : f32 to vector<512x1xf32>
      %gt3A_220 = arith.cmpf ogt, %broadcast_in_dim3A_217, %gt3A_219 : vector<512x1xf32>
      %jit3A_221 = arith.constant 0.000000e+00 : f32
      %broadcast_in_dim3A_222 = vector.broadcast %jit3A_221 : f32 to vector<512x1xf32>
      %select_n3A_223 = arith.select %gt3A_220, %broadcast_in_dim3A_217, %broadcast_in_dim3A_222 : vector<512x1xi1>, vector<512x1xf32>
      %sub3A_224 = vector.broadcast %select_n3A_223 : vector<512x1xf32> to vector<512x512xf32>
      %sub3A_225 = arith.subf %select_n3A_211, %sub3A_224 : vector<512x512xf32>
      %exp3A_226 = math.exp %sub3A_225 : vector<512x512xf32>
      %jit3A_227 = arith.constant 0.000000e+00 : f32
      %broadcast_in_dim3A_228 = vector.broadcast %jit3A_227 : f32 to vector<512x512xf32>
      %select_n3A_229 = arith.select %gt3A_51, %exp3A_226, %broadcast_in_dim3A_228 : vector<512x512xi1>, vector<512x512xf32>
      %mul3A_230 = arith.mulf %select_n3A_229, %get3A_49 : vector<512x512xf32>
      %reduce_sum3A_231 = arith.constant dense<0.000000e+00> : vector<512xf32>
      %reduce_sum3A_232 = vector.multi_reduction <add>, %mul3A_230, %reduce_sum3A_231 [1] : vector<512x512xf32> to vector<512xf32>
      %broadcast_in_dim3A_233 = vector.shape_cast %reduce_sum3A_232 : vector<512xf32> to vector<512x1xf32>
      %gt3A_234 = arith.constant 0.000000e+00 : f32
      %gt3A_235 = vector.broadcast %gt3A_234 : f32 to vector<512x1xf32>
      %gt3A_236 = arith.cmpf ogt, %broadcast_in_dim3A_233, %gt3A_235 : vector<512x1xf32>
      %jit3A_237 = arith.constant 1.000000e+00 : f32
      %broadcast_in_dim3A_238 = vector.broadcast %jit3A_237 : f32 to vector<512x1xf32>
      %select_n3A_239 = arith.select %gt3A_236, %broadcast_in_dim3A_233, %broadcast_in_dim3A_238 : vector<512x1xi1>, vector<512x1xf32>
      %div3A_240 = vector.broadcast %select_n3A_239 : vector<512x1xf32> to vector<512x512xf32>
      %div3A_241 = arith.divf %mul3A_230, %div3A_240 : vector<512x512xf32>
      %dot_general3A_242 = arith.constant dense<0.000000e+00> : vector<512x128xf32>
      %dot_general3A_243 = tpu.matmul %div3A_241, %slice3A_199, %dot_general3A_242 {dimension_numbers = #tpu.dot_dimension_numbers<[1], [0], [0], [1], [0, 0, 1, 1], [], []>, transpose_lhs_hint = false} : vector<512x512xf32>, vector<512x128xf32>, vector<512x128xf32> -> vector<512x128xf32>
      %get3A_244 = arith.constant 0 : index
      %get3A_245 = arith.constant 0 : index
      %get3A_246 = vector.load %arg5[%get3A_244, %get3A_245] : memref<1x512xf32, #tpu.memory_space<vmem>>, vector<1x512xf32>
      %slice3A_247 = vector.extract_strided_slice %get3A_246 {offsets = [0, 0], sizes = [1, 128], strides = [1, 1]} : vector<1x512xf32> to vector<1x128xf32>
      %add3A_248 = vector.broadcast %slice3A_247 : vector<1x128xf32> to vector<512x128xf32>
      %add3A_249 = arith.addf %dot_general3A_108, %add3A_248 : vector<512x128xf32>
      %gt3A_250 = arith.constant 0.000000e+00 : f32
      %gt3A_251 = vector.broadcast %gt3A_250 : f32 to vector<512x128xf32>
      %gt3A_252 = arith.cmpf ogt, %add3A_249, %gt3A_251 : vector<512x128xf32>
      %min3A = arith.constant 0.000000e+00 : f32
      %min3A_253 = vector.broadcast %min3A : f32 to vector<512x128xf32>
      %min3A_254 = arith.minimumf %add3A_249, %min3A_253 : vector<512x128xf32>
      %exp3A_255 = math.exp %min3A_254 : vector<512x128xf32>
      %sub3A_256 = arith.constant 1.000000e+00 : f32
      %sub3A_257 = vector.broadcast %sub3A_256 : f32 to vector<512x128xf32>
      %sub3A_258 = arith.subf %exp3A_255, %sub3A_257 : vector<512x128xf32>
      %select_n3A_259 = arith.select %gt3A_252, %add3A_249, %sub3A_258 : vector<512x128xi1>, vector<512x128xf32>
      %get3A_260 = arith.constant 0 : index
      %get3A_261 = arith.constant 0 : index
      %get3A_262 = vector.load %arg5[%get3A_260, %get3A_261] : memref<1x512xf32, #tpu.memory_space<vmem>>, vector<1x512xf32>
      %slice3A_263 = vector.extract_strided_slice %get3A_262 {offsets = [0, 128], sizes = [1, 128], strides = [1, 1]} : vector<1x512xf32> to vector<1x128xf32>
      %add3A_264 = vector.broadcast %slice3A_263 : vector<1x128xf32> to vector<512x128xf32>
      %add3A_265 = arith.addf %dot_general3A_153, %add3A_264 : vector<512x128xf32>
      %gt3A_266 = arith.constant 0.000000e+00 : f32
      %gt3A_267 = vector.broadcast %gt3A_266 : f32 to vector<512x128xf32>
      %gt3A_268 = arith.cmpf ogt, %add3A_265, %gt3A_267 : vector<512x128xf32>
      %min3A_269 = arith.constant 0.000000e+00 : f32
      %min3A_270 = vector.broadcast %min3A_269 : f32 to vector<512x128xf32>
      %min3A_271 = arith.minimumf %add3A_265, %min3A_270 : vector<512x128xf32>
      %exp3A_272 = math.exp %min3A_271 : vector<512x128xf32>
      %sub3A_273 = arith.constant 1.000000e+00 : f32
      %sub3A_274 = vector.broadcast %sub3A_273 : f32 to vector<512x128xf32>
      %sub3A_275 = arith.subf %exp3A_272, %sub3A_274 : vector<512x128xf32>
      %select_n3A_276 = arith.select %gt3A_268, %add3A_265, %sub3A_275 : vector<512x128xi1>, vector<512x128xf32>
      %get3A_277 = arith.constant 0 : index
      %get3A_278 = arith.constant 0 : index
      %get3A_279 = vector.load %arg5[%get3A_277, %get3A_278] : memref<1x512xf32, #tpu.memory_space<vmem>>, vector<1x512xf32>
      %slice3A_280 = vector.extract_strided_slice %get3A_279 {offsets = [0, 256], sizes = [1, 128], strides = [1, 1]} : vector<1x512xf32> to vector<1x128xf32>
      %add3A_281 = vector.broadcast %slice3A_280 : vector<1x128xf32> to vector<512x128xf32>
      %add3A_282 = arith.addf %dot_general3A_198, %add3A_281 : vector<512x128xf32>
      %gt3A_283 = arith.constant 0.000000e+00 : f32
      %gt3A_284 = vector.broadcast %gt3A_283 : f32 to vector<512x128xf32>
      %gt3A_285 = arith.cmpf ogt, %add3A_282, %gt3A_284 : vector<512x128xf32>
      %min3A_286 = arith.constant 0.000000e+00 : f32
      %min3A_287 = vector.broadcast %min3A_286 : f32 to vector<512x128xf32>
      %min3A_288 = arith.minimumf %add3A_282, %min3A_287 : vector<512x128xf32>
      %exp3A_289 = math.exp %min3A_288 : vector<512x128xf32>
      %sub3A_290 = arith.constant 1.000000e+00 : f32
      %sub3A_291 = vector.broadcast %sub3A_290 : f32 to vector<512x128xf32>
      %sub3A_292 = arith.subf %exp3A_289, %sub3A_291 : vector<512x128xf32>
      %select_n3A_293 = arith.select %gt3A_285, %add3A_282, %sub3A_292 : vector<512x128xi1>, vector<512x128xf32>
      %get3A_294 = arith.constant 0 : index
      %get3A_295 = arith.constant 0 : index
      %get3A_296 = vector.load %arg5[%get3A_294, %get3A_295] : memref<1x512xf32, #tpu.memory_space<vmem>>, vector<1x512xf32>
      %slice3A_297 = vector.extract_strided_slice %get3A_296 {offsets = [0, 384], sizes = [1, 128], strides = [1, 1]} : vector<1x512xf32> to vector<1x128xf32>
      %add3A_298 = vector.broadcast %slice3A_297 : vector<1x128xf32> to vector<512x128xf32>
      %add3A_299 = arith.addf %dot_general3A_243, %add3A_298 : vector<512x128xf32>
      %gt3A_300 = arith.constant 0.000000e+00 : f32
      %gt3A_301 = vector.broadcast %gt3A_300 : f32 to vector<512x128xf32>
      %gt3A_302 = arith.cmpf ogt, %add3A_299, %gt3A_301 : vector<512x128xf32>
      %min3A_303 = arith.constant 0.000000e+00 : f32
      %min3A_304 = vector.broadcast %min3A_303 : f32 to vector<512x128xf32>
      %min3A_305 = arith.minimumf %add3A_299, %min3A_304 : vector<512x128xf32>
      %exp3A_306 = math.exp %min3A_305 : vector<512x128xf32>
      %sub3A_307 = arith.constant 1.000000e+00 : f32
      %sub3A_308 = vector.broadcast %sub3A_307 : f32 to vector<512x128xf32>
      %sub3A_309 = arith.subf %exp3A_306, %sub3A_308 : vector<512x128xf32>
      %select_n3A_310 = arith.select %gt3A_302, %add3A_299, %sub3A_309 : vector<512x128xi1>, vector<512x128xf32>
      %concatenate3A = tpu.concatenate %select_n3A_259, %select_n3A_276, %select_n3A_293, %select_n3A_310 in 1 : vector<512x128xf32>, vector<512x128xf32>, vector<512x128xf32>, vector<512x128xf32> -> vector<512x512xf32>
      %get3A_311 = arith.constant 0 : index
      %get3A_312 = arith.constant 0 : index
      %get3A_313 = vector.load %arg6[%get3A_311, %get3A_312] : memref<512x512xf32, #tpu.memory_space<vmem>>, vector<512x512xf32>
      %dot_general3A_314 = arith.constant dense<0.000000e+00> : vector<512x512xf32>
      %dot_general3A_315 = tpu.matmul %concatenate3A, %get3A_313, %dot_general3A_314 {dimension_numbers = #tpu.dot_dimension_numbers<[1], [0], [0], [1], [0, 0, 1, 1], [], []>, transpose_lhs_hint = false} : vector<512x512xf32>, vector<512x512xf32>, vector<512x512xf32> -> vector<512x512xf32>
      %get3A_316 = arith.constant 0 : index
      %get3A_317 = arith.constant 0 : index
      %get3A_318 = vector.load %arg7[%get3A_316, %get3A_317] : memref<512x4xf32, #tpu.memory_space<vmem>>, vector<512x4xf32>
      %get3A_319 = arith.constant 0 : index
      %get3A_320 = arith.constant 0 : index
      %get3A_321 = vector.load %arg8[%get3A_319, %get3A_320] : memref<512x4xf32, #tpu.memory_space<vmem>>, vector<512x4xf32>
      %dot_general3A_322 = arith.constant dense<0.000000e+00> : vector<512x4xf32>
      %dot_general3A_323 = tpu.matmul %dot_general3A_315, %get3A_318, %dot_general3A_322 {dimension_numbers = #tpu.dot_dimension_numbers<[1], [0], [0], [1], [0, 0, 1, 1], [], []>, transpose_lhs_hint = false} : vector<512x512xf32>, vector<512x4xf32>, vector<512x4xf32> -> vector<512x4xf32>
      %dot_general3A_324 = arith.constant dense<0.000000e+00> : vector<512x4xf32>
      %dot_general3A_325 = tpu.matmul %dot_general3A_315, %get3A_321, %dot_general3A_324 {dimension_numbers = #tpu.dot_dimension_numbers<[1], [0], [0], [1], [0, 0, 1, 1], [], []>, transpose_lhs_hint = false} : vector<512x512xf32>, vector<512x4xf32>, vector<512x4xf32> -> vector<512x4xf32>
      %transpose3A_326 = tpu.transpose %dot_general3A_323, [1, 0] : vector<512x4xf32> -> vector<4x512xf32>
      %slice3A_327 = vector.extract_strided_slice %dot_general3A_315 {offsets = [0, 0], sizes = [512, 128], strides = [1, 1]} : vector<512x512xf32> to vector<512x128xf32>
      %slice3A_328 = vector.extract_strided_slice %transpose3A_326 {offsets = [0, 0], sizes = [1, 512], strides = [1, 1]} : vector<4x512xf32> to vector<1x512xf32>
      %slice3A_329 = vector.extract_strided_slice %dot_general3A_325 {offsets = [0, 0], sizes = [512, 1], strides = [1, 1]} : vector<512x4xf32> to vector<512x1xf32>
      %add3A_330 = vector.broadcast %slice3A_328 : vector<1x512xf32> to vector<512x512xf32>
      %add3A_331 = vector.broadcast %slice3A_329 : vector<512x1xf32> to vector<512x512xf32>
      %add3A_332 = arith.addf %add3A_330, %add3A_331 : vector<512x512xf32>
      %ge3A_333 = arith.constant 0.000000e+00 : f32
      %ge3A_334 = vector.broadcast %ge3A_333 : f32 to vector<512x512xf32>
      %ge3A_335 = arith.cmpf oge, %add3A_332, %ge3A_334 : vector<512x512xf32>
      %mul3A_336 = arith.constant 2.000000e-01 : f32
      %mul3A_337 = vector.broadcast %mul3A_336 : f32 to vector<512x512xf32>
      %mul3A_338 = arith.mulf %mul3A_337, %add3A_332 : vector<512x512xf32>
      %select_n3A_339 = arith.select %ge3A_335, %add3A_332, %mul3A_338 : vector<512x512xi1>, vector<512x512xf32>
      %jit3A_340 = arith.constant -1.000000e+30 : f32
      %broadcast_in_dim3A_341 = vector.broadcast %jit3A_340 : f32 to vector<512x512xf32>
      %select_n3A_342 = arith.select %gt3A_51, %select_n3A_339, %broadcast_in_dim3A_341 : vector<512x512xi1>, vector<512x512xf32>
      %reduce_max3A_343 = arith.constant dense<0xFF800000> : vector<512xf32>
      %reduce_max3A_344 = vector.multi_reduction <maximumf>, %select_n3A_342, %reduce_max3A_343 [1] : vector<512x512xf32> to vector<512xf32>
      %broadcast_in_dim3A_345 = vector.shape_cast %reduce_max3A_344 : vector<512xf32> to vector<512x1xf32>
      %gt3A_346 = arith.constant -1.000000e+29 : f32
      %gt3A_347 = vector.broadcast %gt3A_346 : f32 to vector<512x1xf32>
      %gt3A_348 = arith.cmpf ogt, %broadcast_in_dim3A_345, %gt3A_347 : vector<512x1xf32>
      %jit3A_349 = arith.constant 0.000000e+00 : f32
      %broadcast_in_dim3A_350 = vector.broadcast %jit3A_349 : f32 to vector<512x1xf32>
      %select_n3A_351 = arith.select %gt3A_348, %broadcast_in_dim3A_345, %broadcast_in_dim3A_350 : vector<512x1xi1>, vector<512x1xf32>
      %sub3A_352 = vector.broadcast %select_n3A_351 : vector<512x1xf32> to vector<512x512xf32>
      %sub3A_353 = arith.subf %select_n3A_339, %sub3A_352 : vector<512x512xf32>
      %exp3A_354 = math.exp %sub3A_353 : vector<512x512xf32>
      %jit3A_355 = arith.constant 0.000000e+00 : f32
      %broadcast_in_dim3A_356 = vector.broadcast %jit3A_355 : f32 to vector<512x512xf32>
      %select_n3A_357 = arith.select %gt3A_51, %exp3A_354, %broadcast_in_dim3A_356 : vector<512x512xi1>, vector<512x512xf32>
      %mul3A_358 = arith.mulf %select_n3A_357, %get3A_49 : vector<512x512xf32>
      %reduce_sum3A_359 = arith.constant dense<0.000000e+00> : vector<512xf32>
      %reduce_sum3A_360 = vector.multi_reduction <add>, %mul3A_358, %reduce_sum3A_359 [1] : vector<512x512xf32> to vector<512xf32>
      %broadcast_in_dim3A_361 = vector.shape_cast %reduce_sum3A_360 : vector<512xf32> to vector<512x1xf32>
      %gt3A_362 = arith.constant 0.000000e+00 : f32
      %gt3A_363 = vector.broadcast %gt3A_362 : f32 to vector<512x1xf32>
      %gt3A_364 = arith.cmpf ogt, %broadcast_in_dim3A_361, %gt3A_363 : vector<512x1xf32>
      %jit3A_365 = arith.constant 1.000000e+00 : f32
      %broadcast_in_dim3A_366 = vector.broadcast %jit3A_365 : f32 to vector<512x1xf32>
      %select_n3A_367 = arith.select %gt3A_364, %broadcast_in_dim3A_361, %broadcast_in_dim3A_366 : vector<512x1xi1>, vector<512x1xf32>
      %div3A_368 = vector.broadcast %select_n3A_367 : vector<512x1xf32> to vector<512x512xf32>
      %div3A_369 = arith.divf %mul3A_358, %div3A_368 : vector<512x512xf32>
      %dot_general3A_370 = arith.constant dense<0.000000e+00> : vector<512x128xf32>
      %dot_general3A_371 = tpu.matmul %div3A_369, %slice3A_327, %dot_general3A_370 {dimension_numbers = #tpu.dot_dimension_numbers<[1], [0], [0], [1], [0, 0, 1, 1], [], []>, transpose_lhs_hint = false} : vector<512x512xf32>, vector<512x128xf32>, vector<512x128xf32> -> vector<512x128xf32>
      %slice3A_372 = vector.extract_strided_slice %dot_general3A_315 {offsets = [0, 128], sizes = [512, 128], strides = [1, 1]} : vector<512x512xf32> to vector<512x128xf32>
      %slice3A_373 = vector.extract_strided_slice %transpose3A_326 {offsets = [1, 0], sizes = [1, 512], strides = [1, 1]} : vector<4x512xf32> to vector<1x512xf32>
      %slice3A_374 = vector.extract_strided_slice %dot_general3A_325 {offsets = [0, 1], sizes = [512, 1], strides = [1, 1]} : vector<512x4xf32> to vector<512x1xf32>
      %add3A_375 = vector.broadcast %slice3A_373 : vector<1x512xf32> to vector<512x512xf32>
      %add3A_376 = vector.broadcast %slice3A_374 : vector<512x1xf32> to vector<512x512xf32>
      %add3A_377 = arith.addf %add3A_375, %add3A_376 : vector<512x512xf32>
      %ge3A_378 = arith.constant 0.000000e+00 : f32
      %ge3A_379 = vector.broadcast %ge3A_378 : f32 to vector<512x512xf32>
      %ge3A_380 = arith.cmpf oge, %add3A_377, %ge3A_379 : vector<512x512xf32>
      %mul3A_381 = arith.constant 2.000000e-01 : f32
      %mul3A_382 = vector.broadcast %mul3A_381 : f32 to vector<512x512xf32>
      %mul3A_383 = arith.mulf %mul3A_382, %add3A_377 : vector<512x512xf32>
      %select_n3A_384 = arith.select %ge3A_380, %add3A_377, %mul3A_383 : vector<512x512xi1>, vector<512x512xf32>
      %jit3A_385 = arith.constant -1.000000e+30 : f32
      %broadcast_in_dim3A_386 = vector.broadcast %jit3A_385 : f32 to vector<512x512xf32>
      %select_n3A_387 = arith.select %gt3A_51, %select_n3A_384, %broadcast_in_dim3A_386 : vector<512x512xi1>, vector<512x512xf32>
      %reduce_max3A_388 = arith.constant dense<0xFF800000> : vector<512xf32>
      %reduce_max3A_389 = vector.multi_reduction <maximumf>, %select_n3A_387, %reduce_max3A_388 [1] : vector<512x512xf32> to vector<512xf32>
      %broadcast_in_dim3A_390 = vector.shape_cast %reduce_max3A_389 : vector<512xf32> to vector<512x1xf32>
      %gt3A_391 = arith.constant -1.000000e+29 : f32
      %gt3A_392 = vector.broadcast %gt3A_391 : f32 to vector<512x1xf32>
      %gt3A_393 = arith.cmpf ogt, %broadcast_in_dim3A_390, %gt3A_392 : vector<512x1xf32>
      %jit3A_394 = arith.constant 0.000000e+00 : f32
      %broadcast_in_dim3A_395 = vector.broadcast %jit3A_394 : f32 to vector<512x1xf32>
      %select_n3A_396 = arith.select %gt3A_393, %broadcast_in_dim3A_390, %broadcast_in_dim3A_395 : vector<512x1xi1>, vector<512x1xf32>
      %sub3A_397 = vector.broadcast %select_n3A_396 : vector<512x1xf32> to vector<512x512xf32>
      %sub3A_398 = arith.subf %select_n3A_384, %sub3A_397 : vector<512x512xf32>
      %exp3A_399 = math.exp %sub3A_398 : vector<512x512xf32>
      %jit3A_400 = arith.constant 0.000000e+00 : f32
      %broadcast_in_dim3A_401 = vector.broadcast %jit3A_400 : f32 to vector<512x512xf32>
      %select_n3A_402 = arith.select %gt3A_51, %exp3A_399, %broadcast_in_dim3A_401 : vector<512x512xi1>, vector<512x512xf32>
      %mul3A_403 = arith.mulf %select_n3A_402, %get3A_49 : vector<512x512xf32>
      %reduce_sum3A_404 = arith.constant dense<0.000000e+00> : vector<512xf32>
      %reduce_sum3A_405 = vector.multi_reduction <add>, %mul3A_403, %reduce_sum3A_404 [1] : vector<512x512xf32> to vector<512xf32>
      %broadcast_in_dim3A_406 = vector.shape_cast %reduce_sum3A_405 : vector<512xf32> to vector<512x1xf32>
      %gt3A_407 = arith.constant 0.000000e+00 : f32
      %gt3A_408 = vector.broadcast %gt3A_407 : f32 to vector<512x1xf32>
      %gt3A_409 = arith.cmpf ogt, %broadcast_in_dim3A_406, %gt3A_408 : vector<512x1xf32>
      %jit3A_410 = arith.constant 1.000000e+00 : f32
      %broadcast_in_dim3A_411 = vector.broadcast %jit3A_410 : f32 to vector<512x1xf32>
      %select_n3A_412 = arith.select %gt3A_409, %broadcast_in_dim3A_406, %broadcast_in_dim3A_411 : vector<512x1xi1>, vector<512x1xf32>
      %div3A_413 = vector.broadcast %select_n3A_412 : vector<512x1xf32> to vector<512x512xf32>
      %div3A_414 = arith.divf %mul3A_403, %div3A_413 : vector<512x512xf32>
      %dot_general3A_415 = arith.constant dense<0.000000e+00> : vector<512x128xf32>
      %dot_general3A_416 = tpu.matmul %div3A_414, %slice3A_372, %dot_general3A_415 {dimension_numbers = #tpu.dot_dimension_numbers<[1], [0], [0], [1], [0, 0, 1, 1], [], []>, transpose_lhs_hint = false} : vector<512x512xf32>, vector<512x128xf32>, vector<512x128xf32> -> vector<512x128xf32>
      %slice3A_417 = vector.extract_strided_slice %dot_general3A_315 {offsets = [0, 256], sizes = [512, 128], strides = [1, 1]} : vector<512x512xf32> to vector<512x128xf32>
      %slice3A_418 = vector.extract_strided_slice %transpose3A_326 {offsets = [2, 0], sizes = [1, 512], strides = [1, 1]} : vector<4x512xf32> to vector<1x512xf32>
      %slice3A_419 = vector.extract_strided_slice %dot_general3A_325 {offsets = [0, 2], sizes = [512, 1], strides = [1, 1]} : vector<512x4xf32> to vector<512x1xf32>
      %add3A_420 = vector.broadcast %slice3A_418 : vector<1x512xf32> to vector<512x512xf32>
      %add3A_421 = vector.broadcast %slice3A_419 : vector<512x1xf32> to vector<512x512xf32>
      %add3A_422 = arith.addf %add3A_420, %add3A_421 : vector<512x512xf32>
      %ge3A_423 = arith.constant 0.000000e+00 : f32
      %ge3A_424 = vector.broadcast %ge3A_423 : f32 to vector<512x512xf32>
      %ge3A_425 = arith.cmpf oge, %add3A_422, %ge3A_424 : vector<512x512xf32>
      %mul3A_426 = arith.constant 2.000000e-01 : f32
      %mul3A_427 = vector.broadcast %mul3A_426 : f32 to vector<512x512xf32>
      %mul3A_428 = arith.mulf %mul3A_427, %add3A_422 : vector<512x512xf32>
      %select_n3A_429 = arith.select %ge3A_425, %add3A_422, %mul3A_428 : vector<512x512xi1>, vector<512x512xf32>
      %jit3A_430 = arith.constant -1.000000e+30 : f32
      %broadcast_in_dim3A_431 = vector.broadcast %jit3A_430 : f32 to vector<512x512xf32>
      %select_n3A_432 = arith.select %gt3A_51, %select_n3A_429, %broadcast_in_dim3A_431 : vector<512x512xi1>, vector<512x512xf32>
      %reduce_max3A_433 = arith.constant dense<0xFF800000> : vector<512xf32>
      %reduce_max3A_434 = vector.multi_reduction <maximumf>, %select_n3A_432, %reduce_max3A_433 [1] : vector<512x512xf32> to vector<512xf32>
      %broadcast_in_dim3A_435 = vector.shape_cast %reduce_max3A_434 : vector<512xf32> to vector<512x1xf32>
      %gt3A_436 = arith.constant -1.000000e+29 : f32
      %gt3A_437 = vector.broadcast %gt3A_436 : f32 to vector<512x1xf32>
      %gt3A_438 = arith.cmpf ogt, %broadcast_in_dim3A_435, %gt3A_437 : vector<512x1xf32>
      %jit3A_439 = arith.constant 0.000000e+00 : f32
      %broadcast_in_dim3A_440 = vector.broadcast %jit3A_439 : f32 to vector<512x1xf32>
      %select_n3A_441 = arith.select %gt3A_438, %broadcast_in_dim3A_435, %broadcast_in_dim3A_440 : vector<512x1xi1>, vector<512x1xf32>
      %sub3A_442 = vector.broadcast %select_n3A_441 : vector<512x1xf32> to vector<512x512xf32>
      %sub3A_443 = arith.subf %select_n3A_429, %sub3A_442 : vector<512x512xf32>
      %exp3A_444 = math.exp %sub3A_443 : vector<512x512xf32>
      %jit3A_445 = arith.constant 0.000000e+00 : f32
      %broadcast_in_dim3A_446 = vector.broadcast %jit3A_445 : f32 to vector<512x512xf32>
      %select_n3A_447 = arith.select %gt3A_51, %exp3A_444, %broadcast_in_dim3A_446 : vector<512x512xi1>, vector<512x512xf32>
      %mul3A_448 = arith.mulf %select_n3A_447, %get3A_49 : vector<512x512xf32>
      %reduce_sum3A_449 = arith.constant dense<0.000000e+00> : vector<512xf32>
      %reduce_sum3A_450 = vector.multi_reduction <add>, %mul3A_448, %reduce_sum3A_449 [1] : vector<512x512xf32> to vector<512xf32>
      %broadcast_in_dim3A_451 = vector.shape_cast %reduce_sum3A_450 : vector<512xf32> to vector<512x1xf32>
      %gt3A_452 = arith.constant 0.000000e+00 : f32
      %gt3A_453 = vector.broadcast %gt3A_452 : f32 to vector<512x1xf32>
      %gt3A_454 = arith.cmpf ogt, %broadcast_in_dim3A_451, %gt3A_453 : vector<512x1xf32>
      %jit3A_455 = arith.constant 1.000000e+00 : f32
      %broadcast_in_dim3A_456 = vector.broadcast %jit3A_455 : f32 to vector<512x1xf32>
      %select_n3A_457 = arith.select %gt3A_454, %broadcast_in_dim3A_451, %broadcast_in_dim3A_456 : vector<512x1xi1>, vector<512x1xf32>
      %div3A_458 = vector.broadcast %select_n3A_457 : vector<512x1xf32> to vector<512x512xf32>
      %div3A_459 = arith.divf %mul3A_448, %div3A_458 : vector<512x512xf32>
      %dot_general3A_460 = arith.constant dense<0.000000e+00> : vector<512x128xf32>
      %dot_general3A_461 = tpu.matmul %div3A_459, %slice3A_417, %dot_general3A_460 {dimension_numbers = #tpu.dot_dimension_numbers<[1], [0], [0], [1], [0, 0, 1, 1], [], []>, transpose_lhs_hint = false} : vector<512x512xf32>, vector<512x128xf32>, vector<512x128xf32> -> vector<512x128xf32>
      %slice3A_462 = vector.extract_strided_slice %dot_general3A_315 {offsets = [0, 384], sizes = [512, 128], strides = [1, 1]} : vector<512x512xf32> to vector<512x128xf32>
      %slice3A_463 = vector.extract_strided_slice %transpose3A_326 {offsets = [3, 0], sizes = [1, 512], strides = [1, 1]} : vector<4x512xf32> to vector<1x512xf32>
      %slice3A_464 = vector.extract_strided_slice %dot_general3A_325 {offsets = [0, 3], sizes = [512, 1], strides = [1, 1]} : vector<512x4xf32> to vector<512x1xf32>
      %add3A_465 = vector.broadcast %slice3A_463 : vector<1x512xf32> to vector<512x512xf32>
      %add3A_466 = vector.broadcast %slice3A_464 : vector<512x1xf32> to vector<512x512xf32>
      %add3A_467 = arith.addf %add3A_465, %add3A_466 : vector<512x512xf32>
      %ge3A_468 = arith.constant 0.000000e+00 : f32
      %ge3A_469 = vector.broadcast %ge3A_468 : f32 to vector<512x512xf32>
      %ge3A_470 = arith.cmpf oge, %add3A_467, %ge3A_469 : vector<512x512xf32>
      %mul3A_471 = arith.constant 2.000000e-01 : f32
      %mul3A_472 = vector.broadcast %mul3A_471 : f32 to vector<512x512xf32>
      %mul3A_473 = arith.mulf %mul3A_472, %add3A_467 : vector<512x512xf32>
      %select_n3A_474 = arith.select %ge3A_470, %add3A_467, %mul3A_473 : vector<512x512xi1>, vector<512x512xf32>
      %jit3A_475 = arith.constant -1.000000e+30 : f32
      %broadcast_in_dim3A_476 = vector.broadcast %jit3A_475 : f32 to vector<512x512xf32>
      %select_n3A_477 = arith.select %gt3A_51, %select_n3A_474, %broadcast_in_dim3A_476 : vector<512x512xi1>, vector<512x512xf32>
      %reduce_max3A_478 = arith.constant dense<0xFF800000> : vector<512xf32>
      %reduce_max3A_479 = vector.multi_reduction <maximumf>, %select_n3A_477, %reduce_max3A_478 [1] : vector<512x512xf32> to vector<512xf32>
      %broadcast_in_dim3A_480 = vector.shape_cast %reduce_max3A_479 : vector<512xf32> to vector<512x1xf32>
      %gt3A_481 = arith.constant -1.000000e+29 : f32
      %gt3A_482 = vector.broadcast %gt3A_481 : f32 to vector<512x1xf32>
      %gt3A_483 = arith.cmpf ogt, %broadcast_in_dim3A_480, %gt3A_482 : vector<512x1xf32>
      %jit3A_484 = arith.constant 0.000000e+00 : f32
      %broadcast_in_dim3A_485 = vector.broadcast %jit3A_484 : f32 to vector<512x1xf32>
      %select_n3A_486 = arith.select %gt3A_483, %broadcast_in_dim3A_480, %broadcast_in_dim3A_485 : vector<512x1xi1>, vector<512x1xf32>
      %sub3A_487 = vector.broadcast %select_n3A_486 : vector<512x1xf32> to vector<512x512xf32>
      %sub3A_488 = arith.subf %select_n3A_474, %sub3A_487 : vector<512x512xf32>
      %exp3A_489 = math.exp %sub3A_488 : vector<512x512xf32>
      %jit3A_490 = arith.constant 0.000000e+00 : f32
      %broadcast_in_dim3A_491 = vector.broadcast %jit3A_490 : f32 to vector<512x512xf32>
      %select_n3A_492 = arith.select %gt3A_51, %exp3A_489, %broadcast_in_dim3A_491 : vector<512x512xi1>, vector<512x512xf32>
      %mul3A_493 = arith.mulf %select_n3A_492, %get3A_49 : vector<512x512xf32>
      %reduce_sum3A_494 = arith.constant dense<0.000000e+00> : vector<512xf32>
      %reduce_sum3A_495 = vector.multi_reduction <add>, %mul3A_493, %reduce_sum3A_494 [1] : vector<512x512xf32> to vector<512xf32>
      %broadcast_in_dim3A_496 = vector.shape_cast %reduce_sum3A_495 : vector<512xf32> to vector<512x1xf32>
      %gt3A_497 = arith.constant 0.000000e+00 : f32
      %gt3A_498 = vector.broadcast %gt3A_497 : f32 to vector<512x1xf32>
      %gt3A_499 = arith.cmpf ogt, %broadcast_in_dim3A_496, %gt3A_498 : vector<512x1xf32>
      %jit3A_500 = arith.constant 1.000000e+00 : f32
      %broadcast_in_dim3A_501 = vector.broadcast %jit3A_500 : f32 to vector<512x1xf32>
      %select_n3A_502 = arith.select %gt3A_499, %broadcast_in_dim3A_496, %broadcast_in_dim3A_501 : vector<512x1xi1>, vector<512x1xf32>
      %div3A_503 = vector.broadcast %select_n3A_502 : vector<512x1xf32> to vector<512x512xf32>
      %div3A_504 = arith.divf %mul3A_493, %div3A_503 : vector<512x512xf32>
      %dot_general3A_505 = arith.constant dense<0.000000e+00> : vector<512x128xf32>
      %dot_general3A_506 = tpu.matmul %div3A_504, %slice3A_462, %dot_general3A_505 {dimension_numbers = #tpu.dot_dimension_numbers<[1], [0], [0], [1], [0, 0, 1, 1], [], []>, transpose_lhs_hint = false} : vector<512x512xf32>, vector<512x128xf32>, vector<512x128xf32> -> vector<512x128xf32>
      %broadcast_in_dim3A_507 = arith.constant 0.000000e+00 : f32
      %broadcast_in_dim3A_508 = vector.broadcast %broadcast_in_dim3A_507 : f32 to vector<512x128xf32>
      %slice3A_509 = vector.extract_strided_slice %concatenate3A {offsets = [0, 0], sizes = [512, 128], strides = [1, 1]} : vector<512x512xf32> to vector<512x128xf32>
      %add3A_510 = arith.addf %dot_general3A_371, %slice3A_509 : vector<512x128xf32>
      %get3A_511 = arith.constant 0 : index
      %get3A_512 = arith.constant 0 : index
      %get3A_513 = vector.load %arg9[%get3A_511, %get3A_512] : memref<1x512xf32, #tpu.memory_space<vmem>>, vector<1x512xf32>
      %slice3A_514 = vector.extract_strided_slice %get3A_513 {offsets = [0, 0], sizes = [1, 128], strides = [1, 1]} : vector<1x512xf32> to vector<1x128xf32>
      %add3A_515 = vector.broadcast %slice3A_514 : vector<1x128xf32> to vector<512x128xf32>
      %add3A_516 = arith.addf %add3A_510, %add3A_515 : vector<512x128xf32>
      %add3A_517 = arith.addf %broadcast_in_dim3A_508, %add3A_516 : vector<512x128xf32>
      %slice3A_518 = vector.extract_strided_slice %concatenate3A {offsets = [0, 128], sizes = [512, 128], strides = [1, 1]} : vector<512x512xf32> to vector<512x128xf32>
      %add3A_519 = arith.addf %dot_general3A_416, %slice3A_518 : vector<512x128xf32>
      %get3A_520 = arith.constant 0 : index
      %get3A_521 = arith.constant 0 : index
      %get3A_522 = vector.load %arg9[%get3A_520, %get3A_521] : memref<1x512xf32, #tpu.memory_space<vmem>>, vector<1x512xf32>
      %slice3A_523 = vector.extract_strided_slice %get3A_522 {offsets = [0, 128], sizes = [1, 128], strides = [1, 1]} : vector<1x512xf32> to vector<1x128xf32>
      %add3A_524 = vector.broadcast %slice3A_523 : vector<1x128xf32> to vector<512x128xf32>
      %add3A_525 = arith.addf %add3A_519, %add3A_524 : vector<512x128xf32>
      %add3A_526 = arith.addf %add3A_517, %add3A_525 : vector<512x128xf32>
      %slice3A_527 = vector.extract_strided_slice %concatenate3A {offsets = [0, 256], sizes = [512, 128], strides = [1, 1]} : vector<512x512xf32> to vector<512x128xf32>
      %add3A_528 = arith.addf %dot_general3A_461, %slice3A_527 : vector<512x128xf32>
      %get3A_529 = arith.constant 0 : index
      %get3A_530 = arith.constant 0 : index
      %get3A_531 = vector.load %arg9[%get3A_529, %get3A_530] : memref<1x512xf32, #tpu.memory_space<vmem>>, vector<1x512xf32>
      %slice3A_532 = vector.extract_strided_slice %get3A_531 {offsets = [0, 256], sizes = [1, 128], strides = [1, 1]} : vector<1x512xf32> to vector<1x128xf32>
      %add3A_533 = vector.broadcast %slice3A_532 : vector<1x128xf32> to vector<512x128xf32>
      %add3A_534 = arith.addf %add3A_528, %add3A_533 : vector<512x128xf32>
      %add3A_535 = arith.addf %add3A_526, %add3A_534 : vector<512x128xf32>
      %slice3A_536 = vector.extract_strided_slice %concatenate3A {offsets = [0, 384], sizes = [512, 128], strides = [1, 1]} : vector<512x512xf32> to vector<512x128xf32>
      %add3A_537 = arith.addf %dot_general3A_506, %slice3A_536 : vector<512x128xf32>
      %get3A_538 = arith.constant 0 : index
      %get3A_539 = arith.constant 0 : index
      %get3A_540 = vector.load %arg9[%get3A_538, %get3A_539] : memref<1x512xf32, #tpu.memory_space<vmem>>, vector<1x512xf32>
      %slice3A_541 = vector.extract_strided_slice %get3A_540 {offsets = [0, 384], sizes = [1, 128], strides = [1, 1]} : vector<1x512xf32> to vector<1x128xf32>
      %add3A_542 = vector.broadcast %slice3A_541 : vector<1x128xf32> to vector<512x128xf32>
      %add3A_543 = arith.addf %add3A_537, %add3A_542 : vector<512x128xf32>
      %add3A_544 = arith.addf %add3A_535, %add3A_543 : vector<512x128xf32>
      %mul3A_545 = arith.constant 2.500000e-01 : f32
      %mul3A_546 = vector.broadcast %mul3A_545 : f32 to vector<512x128xf32>
      %mul3A_547 = arith.mulf %add3A_544, %mul3A_546 : vector<512x128xf32>
      %get3A_548 = arith.constant 0 : index
      %get3A_549 = arith.constant 0 : index
      %get3A_550 = vector.load %arg11[%get3A_548, %get3A_549] : memref<128x128xf32, #tpu.memory_space<vmem>>, vector<128x128xf32>
      %dot_general3A_551 = arith.constant dense<0.000000e+00> : vector<512x128xf32>
      %dot_general3A_552 = tpu.matmul %mul3A_547, %get3A_550, %dot_general3A_551 {dimension_numbers = #tpu.dot_dimension_numbers<[1], [0], [0], [1], [0, 0, 1, 1], [], []>, transpose_lhs_hint = false} : vector<512x128xf32>, vector<128x128xf32>, vector<512x128xf32> -> vector<512x128xf32>
      %get3A_553 = arith.constant 0 : index
      %get3A_554 = arith.constant 0 : index
      %get3A_555 = vector.load %arg13[%get3A_553, %get3A_554] : memref<1x128xf32, #tpu.memory_space<vmem>>, vector<1x128xf32>
      %add3A_556 = vector.broadcast %get3A_555 : vector<1x128xf32> to vector<512x128xf32>
      %add3A_557 = arith.addf %dot_general3A_552, %add3A_556 : vector<512x128xf32>
      %convert_element_type3A_558 = arith.truncf %add3A_557 : vector<512x128xf32> to vector<512x128xbf16>
      %swap3A_559 = arith.constant 0 : index
      %swap3A_560 = arith.constant 0 : index
      %swap3A_561 = vector.load %arg19[%swap3A_559, %swap3A_560] : memref<512x128xbf16, #tpu.memory_space<vmem>>, vector<512x128xbf16>
      tpu.vector_store %arg19[%swap3A_559, %swap3A_560], %convert_element_type3A_558 {strides = array<i32>} : memref<512x128xbf16, #tpu.memory_space<vmem>>, vector<512x128xbf16>,
      %get3A_562 = arith.constant 0 : index
      %get3A_563 = arith.constant 0 : index
      %get3A_564 = vector.load %arg12[%get3A_562, %get3A_563] : memref<128x128xf32, #tpu.memory_space<vmem>>, vector<128x128xf32>
      %dot_general3A_565 = arith.constant dense<0.000000e+00> : vector<512x128xf32>
      %dot_general3A_566 = tpu.matmul %mul3A_547, %get3A_564, %dot_general3A_565 {dimension_numbers = #tpu.dot_dimension_numbers<[1], [0], [0], [1], [0, 0, 1, 1], [], []>, transpose_lhs_hint = false} : vector<512x128xf32>, vector<128x128xf32>, vector<512x128xf32> -> vector<512x128xf32>
      %convert_element_type3A_567 = arith.truncf %dot_general3A_566 : vector<512x128xf32> to vector<512x128xbf16>
      %swap3A_568 = arith.constant 0 : index
      %swap3A_569 = arith.constant 0 : index
      %swap3A_570 = vector.load %arg20[%swap3A_568, %swap3A_569] : memref<512x128xbf16, #tpu.memory_space<vmem>>, vector<512x128xbf16>
      tpu.vector_store %arg20[%swap3A_568, %swap3A_569], %convert_element_type3A_567 {strides = array<i32>} : memref<512x128xbf16, #tpu.memory_space<vmem>>, vector<512x128xbf16>,
    } else {
    }
    %mul3A = arith.constant 64 : i32
    %mul3A_2 = arith.muli %arg0, %mul3A : i32
    %get3A = arith.index_cast %mul3A_2 : i32 to index
    %get3A_3 = arith.constant 0 : index
    %get3A_4 = vector.load %arg19[%get3A, %get3A_3] : memref<512x128xbf16, #tpu.memory_space<vmem>>, vector<64x128xbf16>
    %broadcast_in_dim3A = vector.shape_cast %get3A_4 : vector<64x128xbf16> to vector<64x1x128xbf16>
    %get3A_5 = arith.constant 0 : index
    %get3A_6 = arith.constant 0 : index
    %get3A_7 = vector.load %arg20[%get3A_5, %get3A_6] : memref<512x128xbf16, #tpu.memory_space<vmem>>, vector<512x128xbf16>
    %broadcast_in_dim3A_8 = vector.shape_cast %get3A_7 : vector<512x128xbf16> to vector<1x512x128xbf16>
    %add3A = vector.broadcast %broadcast_in_dim3A : vector<64x1x128xbf16> to vector<64x512x128xbf16>
    %add3A_9 = vector.broadcast %broadcast_in_dim3A_8 : vector<1x512x128xbf16> to vector<64x512x128xbf16>
    %add3A_10 = arith.addf %add3A, %add3A_9 : vector<64x512x128xbf16>
    %max3A = arith.constant 0.000000e+00 : bf16
    %max3A_11 = vector.broadcast %max3A : bf16 to vector<64x512x128xbf16>
    %max3A_12 = arith.maximumf %add3A_10, %max3A_11 : vector<64x512x128xbf16>
    %reshape3A = vector.shape_cast %max3A_12 : vector<64x512x128xbf16> to vector<32768x128xbf16>
    %get3A_13 = arith.constant 0 : index
    %get3A_14 = arith.constant 0 : index
    %get3A_15 = vector.load %arg14[%get3A_13, %get3A_14] : memref<128x128xf32, #tpu.memory_space<vmem>>, vector<128x128xf32>
    %convert_element_type3A_16 = arith.truncf %get3A_15 : vector<128x128xf32> to vector<128x128xbf16>
    %dot_general3A = arith.constant dense<0.000000e+00> : vector<32768x128xf32>
    %dot_general3A_17 = tpu.matmul %reshape3A, %convert_element_type3A_16, %dot_general3A {dimension_numbers = #tpu.dot_dimension_numbers<[1], [0], [0], [1], [0, 0, 1, 1], [], []>, transpose_lhs_hint = false} : vector<32768x128xbf16>, vector<128x128xbf16>, vector<32768x128xf32> -> vector<32768x128xf32>
    %get3A_18 = arith.constant 0 : index
    %get3A_19 = arith.constant 0 : index
    %get3A_20 = vector.load %arg15[%get3A_18, %get3A_19] : memref<1x128xf32, #tpu.memory_space<vmem>>, vector<1x128xf32>
    %add3A_21 = vector.broadcast %get3A_20 : vector<1x128xf32> to vector<32768x128xf32>
    %add3A_22 = arith.addf %dot_general3A_17, %add3A_21 : vector<32768x128xf32>
    %max3A_23 = arith.constant 0.000000e+00 : f32
    %max3A_24 = vector.broadcast %max3A_23 : f32 to vector<32768x128xf32>
    %max3A_25 = arith.maximumf %add3A_22, %max3A_24 : vector<32768x128xf32>
    %convert_element_type3A_26 = arith.truncf %max3A_25 : vector<32768x128xf32> to vector<32768x128xbf16>
    %get3A_27 = arith.constant 0 : index
    %get3A_28 = arith.constant 0 : index
    %get3A_29 = vector.load %arg16[%get3A_27, %get3A_28] : memref<8x128xf32, #tpu.memory_space<vmem>>, vector<8x128xf32>
    %convert_element_type3A_30 = arith.truncf %get3A_29 : vector<8x128xf32> to vector<8x128xbf16>
    %dot_general3A_31 = arith.constant dense<0.000000e+00> : vector<8x32768xf32>
    %dot_general3A_32 = tpu.matmul %convert_element_type3A_30, %convert_element_type3A_26, %dot_general3A_31 {dimension_numbers = #tpu.dot_dimension_numbers<[1], [1], [0], [0], [0, 0, 1, 0], [], []>, transpose_lhs_hint = false} : vector<8x128xbf16>, vector<32768x128xbf16>, vector<8x32768xf32> -> vector<8x32768xf32>
    %get3A_33 = arith.constant 0 : index
    %get3A_34 = arith.constant 0 : index
    %get3A_35 = vector.load %arg17[%get3A_33, %get3A_34] : memref<1x1xf32, #tpu.memory_space<vmem>>, vector<1x1xf32>
    %add3A_36 = vector.broadcast %get3A_35 : vector<1x1xf32> to vector<8x32768xf32>
    %add3A_37 = arith.addf %dot_general3A_32, %add3A_36 : vector<8x32768xf32>
    %neg3A = arith.constant 0.000000e+00 : f32
    %neg3A_38 = vector.broadcast %neg3A : f32 to vector<8x32768xf32>
    %neg3A_39 = arith.subf %neg3A_38, %add3A_37 : vector<8x32768xf32>
    %exp3A = math.exp %neg3A_39 : vector<8x32768xf32>
    %add3A_40 = arith.constant 1.000000e+00 : f32
    %add3A_41 = vector.broadcast %add3A_40 : f32 to vector<8x32768xf32>
    %add3A_42 = arith.addf %add3A_41, %exp3A : vector<8x32768xf32>
    %div3A = arith.constant 1.000000e+00 : f32
    %div3A_43 = vector.broadcast %div3A : f32 to vector<8x32768xf32>
    %div3A_44 = arith.divf %div3A_43, %add3A_42 : vector<8x32768xf32>
    %slice3A = vector.extract_strided_slice %div3A_44 {offsets = [0, 0], sizes = [1, 32768], strides = [1, 1]} : vector<8x32768xf32> to vector<1x32768xf32>
    %reshape3A_45 = vector.shape_cast %slice3A : vector<1x32768xf32> to vector<32768xf32>
    %swap3A = arith.constant 0 : index
    %swap3A_46 = vector.load %arg18[%swap3A] : memref<32768xf32, #tpu.memory_space<vmem>>, vector<32768xf32>
    tpu.vector_store %arg18[%swap3A], %reshape3A_45 {strides = array<i32>} : memref<32768xf32, #tpu.memory_space<vmem>>, vector<32768xf32>,
    return
  }
  func.func @transform_0(%arg0: i32) -> (i32, i32) {
    %c0_i32 = arith.constant 0 : i32
    %c0_i32_0 = arith.constant 0 : i32
    %c0_i32_1 = arith.constant 0 : i32
    return %c0_i32, %c0_i32_0 : i32, i32
  }
  func.func @transform_1(%arg0: i32) -> (i32, i32) {
    %c0_i32 = arith.constant 0 : i32
    %c0_i32_0 = arith.constant 0 : i32
    %c0_i32_1 = arith.constant 0 : i32
    return %c0_i32, %c0_i32_0 : i32, i32
  }
  func.func @transform_2(%arg0: i32) -> (i32, i32) {
    %c0_i32 = arith.constant 0 : i32
    %c0_i32_0 = arith.constant 0 : i32
    %c0_i32_1 = arith.constant 0 : i32
    return %c0_i32, %c0_i32_0 : i32, i32
  }
  func.func @transform_3(%arg0: i32) -> (i32, i32) {
    %c0_i32 = arith.constant 0 : i32
    %c0_i32_0 = arith.constant 0 : i32
    %c0_i32_1 = arith.constant 0 : i32
    return %c0_i32, %c0_i32_0 : i32, i32
  }
  func.func @transform_4(%arg0: i32) -> (i32, i32) {
    %c0_i32 = arith.constant 0 : i32
    %c0_i32_0 = arith.constant 0 : i32
    %c0_i32_1 = arith.constant 0 : i32
    return %c0_i32, %c0_i32_0 : i32, i32
  }
  func.func @transform_5(%arg0: i32) -> (i32, i32) {
    %c0_i32 = arith.constant 0 : i32
    %c0_i32_0 = arith.constant 0 : i32
    %c0_i32_1 = arith.constant 0 : i32
    return %c0_i32, %c0_i32_0 : i32, i32
  }
  func.func @transform_6(%arg0: i32) -> (i32, i32) {
    %c0_i32 = arith.constant 0 : i32
    %c0_i32_0 = arith.constant 0 : i32
    %c0_i32_1 = arith.constant 0 : i32
    return %c0_i32, %c0_i32_0 : i32, i32
  }
  func.func @transform_7(%arg0: i32) -> (i32, i32) {
    %c0_i32 = arith.constant 0 : i32
    %c0_i32_0 = arith.constant 0 : i32
    %c0_i32_1 = arith.constant 0 : i32
    return %c0_i32, %c0_i32_0 : i32, i32
  }
  func.func @transform_8(%arg0: i32) -> (i32, i32) {
    %c0_i32 = arith.constant 0 : i32
    %c0_i32_0 = arith.constant 0 : i32
    %c0_i32_1 = arith.constant 0 : i32
    return %c0_i32, %c0_i32_0 : i32, i32
  }
  func.func @transform_9(%arg0: i32) -> (i32, i32) {
    %c0_i32 = arith.constant 0 : i32
    %c0_i32_0 = arith.constant 0 : i32
    %c0_i32_1 = arith.constant 0 : i32
    return %c0_i32, %c0_i32_0 : i32, i32
  }
  func.func @transform_10(%arg0: i32) -> (i32, i32) {
    %c0_i32 = arith.constant 0 : i32
    %c0_i32_0 = arith.constant 0 : i32
    %c0_i32_1 = arith.constant 0 : i32
    return %c0_i32, %c0_i32_0 : i32, i32
  }
  func.func @transform_11(%arg0: i32) -> (i32, i32) {
    %c0_i32 = arith.constant 0 : i32
    %c0_i32_0 = arith.constant 0 : i32
    %c0_i32_1 = arith.constant 0 : i32
    return %c0_i32, %c0_i32_0 : i32, i32
  }
  func.func @transform_12(%arg0: i32) -> (i32, i32) {
    %c0_i32 = arith.constant 0 : i32
    %c0_i32_0 = arith.constant 0 : i32
    %c0_i32_1 = arith.constant 0 : i32
    return %c0_i32, %c0_i32_0 : i32, i32
  }
  func.func @transform_13(%arg0: i32) -> (i32, i32) {
    %c0_i32 = arith.constant 0 : i32
    %c0_i32_0 = arith.constant 0 : i32
    %c0_i32_1 = arith.constant 0 : i32
    return %c0_i32, %c0_i32_0 : i32, i32
  }
  func.func @transform_14(%arg0: i32) -> (i32, i32) {
    %c0_i32 = arith.constant 0 : i32
    %c0_i32_0 = arith.constant 0 : i32
    %c0_i32_1 = arith.constant 0 : i32
    return %c0_i32, %c0_i32_0 : i32, i32
  }
  func.func @transform_15(%arg0: i32) -> (i32, i32) {
    %c0_i32 = arith.constant 0 : i32
    %c0_i32_0 = arith.constant 0 : i32
    %c0_i32_1 = arith.constant 0 : i32
    return %c0_i32, %c0_i32_0 : i32, i32
  }
  func.func @transform_16(%arg0: i32) -> (i32, i32) {
    %c0_i32 = arith.constant 0 : i32
    %c0_i32_0 = arith.constant 0 : i32
    %c0_i32_1 = arith.constant 0 : i32
    return %c0_i32, %c0_i32_0 : i32, i32
  }
  func.func @transform_17(%arg0: i32) -> i32 {
    %c0_i32 = arith.constant 0 : i32
    return %arg0 : i32
  }
}

</mosaic_0001>

<sc_bundles>
// kernel: kernel.4.cloned.1.call-start
scs
__scs_entry_jumppad:
0x0: {  	(pc) =	sbr.rel $0x88, $3  }
0x1: {  	(tag) =	ssettag $0x0;
	lr =	simm.s32 $0x1  }
0x2: {  	[smem:$0x3F91] =	sst lr;
	_ =	strace $0xD0000000  }
0x3: {  	_ = 	snop  }
0x4: {  	_ = 	snop  }
0x5: {  	_ = 	snop  }
0x6: {  	_ = 	snop  }
0x7: {  	_ = 	snop  }
__scs_overlays_trampoline_lowered:
0x8: {  	[smem:$0x3FA0] =	sst s0  }
0x9: {  	[smem:$0x3FA1] =	sst s1  }
0xa: {  	[smem:$0x3FA2] =	sst s2  }
0xb: {  	[smem:$0x3FA3] =	sst s3  }
0xc: {  	[smem:$0x3FA4] =	sst s4  }
0xd: {  	[smem:$0x3FA5] =	sst s5  }
0xe: {  	[smem:$0x3FA6] =	sst s6  }
0xf: {  	[smem:$0x3FA7] =	sst s7  }
0x10: {  	[smem:$0x3FA8] =	sst s8  }
0x11: {  	[smem:$0x3FA9] =	sst s9;
	s0 =	simm.s32 @!p0 $0x0  }
0x12: {  	s1 =	sld [smem:$0x3F8F];
	s0 =	simm.s32 @p0 $0x1  }
0x13: {  	[smem:$0x3FAA] =	sst s0;
	s0 =	simm.s32 @!p1 $0x0  }
0x14: {  	s2 =	sld [smem:$0x3F8E];
	s0 =	simm.s32 @p1 $0x1  }
0x15: {  	[smem:$0x3FAB] =	sst s0;
	s0 =	simm.s32 @!p2 $0x0  }
0x16: {  	s3 =	sld [smem:$0x3FDB];
	s0 =	simm.s32 @p2 $0x1  }
0x17: {  	s4 =	simm.s32 $0x1BF5;
	[smem:$0x3FAD] =	sst s0  }
0x18: {  	s0 =	sld [smem:$0x3F90];
	_ =	swait.ge [sflag:s4], $0x0  }
0x19: {  	s7 =	sld [smem:$0x3F91]  }
0x1a: {  	s8 =	sadd.s32 $0xFFFFE003, lr  }
0x1b: {  	s9 =	sadd.s32 $0xFFFFFEF7, lr;
	s5 =	simm.s32 $0xFFFFFFFF;
	p2 =	slt.u32 s8, $0xFFFFF086  }
0x1c: {  	p1 =	slt.u32 s9, $0xF7A;
	s5 =	simm.s32 @!p2 $0x0  }
0x1d: {  	s5 =	simm.s32 @p1 $0x1;
	p0 =	seq.s32 s7, s2  }
0x1e: {  	s7 =	smul.u32 @!p0 $0xF7A, s2;
	p2 =	seq.s32 @!p0 s5, $0x0  }
0x1f: {  	s9 =	smul.u32 $0xF7A, s1;
	s8 =	simm.s32 @!p0 $0x1BF5;
	p2 =	por !p2, p0  }
0x20: {  	[sflag:s8] =	ssyncset.s32 @!p0 $0xFFFFF086;
	s6 =	sadd.s32 @!p0 s3, s7;
	s7 =	simm.s32 @!p0 $0x108  }
0x21: {  	s3 =	sadd.s32 s3, s9;
	s6 =	sadd.s32 @!p0 $0x88, s6;
	s7 =	simm.s32 @p2 $0x1082  }
0x22: {  	[simem:s7], [sflag:s8] =	dma.local @!p0 [hbm:s6], $0xF7A  }
0x23: {  	s9 =	sor.u32 $0xD0000000, s2;
	s6 =	simm.s32 $0x108;
	_ =	swait.ge @!p0 [sflag:s8], $0x0  }
0x24: {  	s3 =	sadd.s32 $0x88, s3;
	s6 =	simm.s32 @!p1 $0x1082;
	[sflag:s4] =	ssyncset.s32 $0xFFFFF086  }
0x25: {  	[simem:s6], [sflag:s4] =	dma.local [hbm:s3], $0xF7A  }
0x26: {  	[smem:$0x3F91] =	sst s1;
	(tag) =	ssettag s2;
	_ =	strace s9  }
0x27: {  	s1 =	sld [smem:$0x3FA1]  }
0x28: {  	s2 =	sld [smem:$0x3FA2]  }
0x29: {  	s4 =	sld [smem:$0x3FA4]  }
0x2a: {  	p0 =	seq.s32 s5, $0x0;
	s5 =	sld [smem:$0x3FA5]  }
0x2b: {  	s6 =	sld [smem:$0x3FA6]  }
0x2c: {  	s7 =	sld [smem:$0x3FA7]  }
0x2d: {  	s3 =	simm.s32 $0x108;
	s8 =	sld [smem:$0x3FA8]  }
0x2e: {  	s3 =	simm.s32 @!p0 $0x1082;
	s9 =	sld [smem:$0x3FA9]  }
0x2f: {  	lr =	sadd.s32 s0, s3;
	s0 =	sld [smem:$0x3FA0]  }
0x30: {  	s3 =	sld [smem:$0x3FA3]  }
0x31: {  	[smem:$0x3FAC] =	sst s10  }
0x32: {  	s10 =	sld [smem:$0x3FAA];
	_ =	sdelay $0x3  }
0x33: {  	p0 =	seq.s32 s10, $0x1;
	s10 =	sld [smem:$0x3FAC];
	_ =	sdelay $0x3  }
0x34: {  	[smem:$0x3FAC] =	sst s10  }
0x35: {  	s10 =	sld [smem:$0x3FAB];
	_ =	sdelay $0x3  }
0x36: {  	p1 =	seq.s32 s10, $0x1;
	s10 =	sld [smem:$0x3FAC];
	_ =	sdelay $0x3  }
0x37: {  	[smem:$0x3FAC] =	sst s10  }
0x38: {  	s10 =	sld [smem:$0x3FAD]  }
0x39: {  	_ = 	snop;
	(pc) =	sbr.ind lr, $3  }
0x3a: {  	_ = 	snop  }
0x3b: {  	_ = 	snop  }
0x3c: {  	p2 =	seq.s32 s10, $0x1;
	s10 =	sld [smem:$0x3FAC]  }
0x3d: {  	_ =	shalt  }
0x3e: {  	_ =	shalt  }
0x3f: {  	_ =	shalt  }
0x40: {  	_ =	shalt  }
0x41: {  	_ =	shalt  }
0x42: {  	_ =	shalt  }
0x43: {  	_ =	shalt  }
0x44: {  	_ =	shalt  }
0x45: {  	_ =	shalt  }
0x46: {  	_ =	shalt  }
0x47: {  	_ =	shalt  }
0x48: {  	_ =	shalt  }
0x49: {  	_ =	shalt  }
0x4a: {  	_ =	shalt  }
0x4b: {  	_ =	shalt  }
0x4c: {  	_ =	shalt  }
0x4d: {  	_ =	shalt  }
0x4e: {  	_ =	shalt  }
0x4f: {  	_ =	shalt  }
0x50: {  	_ =	shalt  }
0x51: {  	_ =	shalt  }
0x52: {  	_ =	shalt  }
0x53: {  	_ =	shalt  }
0x54: {  	_ =	shalt  }
0x55: {  	_ =	shalt  }
0x56: {  	_ =	shalt  }
0x57: {  	_ =	shalt  }
0x58: {  	_ =	shalt  }
0x59: {  	_ =	shalt  }
0x5a: {  	_ =	shalt  }
0x5b: {  	_ =	shalt  }
0x5c: {  	_ =	shalt  }
0x5d: {  	_ =	shalt  }
0x5e: {  	_ =	shalt  }
0x5f: {  	_ =	shalt  }
0x60: {  	_ =	shalt  }
0x61: {  	_ =	shalt  }
0x62: {  	_ =	shalt  }
0x63: {  	_ =	shalt  }
0x64: {  	_ =	shalt  }
0x65: {  	_ =	shalt  }
0x66: {  	_ =	shalt  }
0x67: {  	_ =	shalt  }
0x68: {  	_ =	shalt  }
0x69: {  	_ =	shalt  }
0x6a: {  	_ =	shalt  }
0x6b: {  	_ =	shalt  }
0x6c: {  	_ =	shalt  }
0x6d: {  	_ =	shalt  }
0x6e: {  	_ =	shalt  }
0x6f: {  	_ =	shalt  }
0x70: {  	_ =	shalt  }
0x71: {  	_ =	shalt  }
0x72: {  	_ =	shalt  }
0x73: {  	_ =	shalt  }
0x74: {  	_ =	shalt  }
0x75: {  	_ =	shalt  }
0x76: {  	_ =	shalt  }
0x77: {  	_ =	shalt  }
0x78: {  	_ =	shalt  }
0x79: {  	_ =	shalt  }
0x7a: {  	_ =	shalt  }
0x7b: {  	_ =	shalt  }
0x7c: {  	_ =	shalt  }
0x7d: {  	_ =	shalt  }
0x7e: {  	_ =	shalt  }
0x7f: {  	_ =	shalt  }
0x80: {  	_ =	shalt  }
0x81: {  	_ =	shalt  }
0x82: {  	_ =	shalt  }
0x83: {  	_ =	shalt  }
0x84: {  	_ =	shalt  }
0x85: {  	_ =	shalt  }
0x86: {  	_ =	shalt  }
0x87: {  	_ =	shalt  }
.Lfunc_end0:
.L_simem_size_0:
called_computation_lowered:
.L_overlay_start_0:
0x88: {  	s0 =	sld [smem:$0x3FD9]  }
0x89: {  	s1 =	sld [smem:$0x3FFE];
	_ =	sdelay $0x3  }
0x8a: {  	s0 =	sadd.s32 s1, s0  }
0x8b: {  	[smem:$0x3FB8] =	sst s0  }
0x8c: {  	_ = 	snop  }
0x8d: {  	s0 =	sld [smem:$0x3FC8]  }
0x8e: {  	s17 =	sld [smem:$0x3FD0];
	(tm) =	ssettm $0x1  }
0x8f: {  	s2 =	sld [smem:$0x3FFB];
	_ =	sdelay $0x3  }
0x90: {  	_ =	strace s2  }
0x91: {  	s2 =	sld [smem:$0x3FFC];
	_ =	sdelay $0x3  }
0x92: {  	_ =	strace s2  }
0x93: {  	s2 =	sld [smem:$0x3FFD];
	_ =	sdelay $0x3  }
0x94: {  	_ =	strace s2  }
0x95: {  	_ =	strace $0x8FFFFFFF  }
0x96: {  	s18 =	sld [smem:$0x3FDB];
	_ =	sdelay $0x1  }
0x97: {  	s3 =	simm.s32 $_scs_section_size  }
0x98: {  	s4 =	simm.s32 $_size__tile_overlayer_lowered;
	s5 =	simm.s32 $_tile_overlayer_lowered  }
0x99: {  	s21 =	simm.s32 $0x1BFF;
	s20 =	sshll.u32 s5, $0x1;
	s2 =	sadd.s32 s3, s18  }
0x9a: {  	s6 =	simm.s32 $0x0;
	s19 =	sshll.u32 s4, $0x1;
	s4 =	sadd.s32 s20, s2  }
0x9b: {  	[timem:s6], [sflag:s21] =	dma.local [hbm:s4], s19  }
0x9c: {  	_ =	swait.ge [sflag:s21], s19  }
0x9d: {  	s3 =	ssub.s32 $0x0, s19;
	[sflag:s21] =	ssyncset.done $0x0  }
0x9e: {  	[sflag:s21] =	ssyncadd.s32 s3;
	_ =	sdelay $0x1  }
0x9f: {  	s22 =	simm.s32 $0x1B8B  }
0xa0: {  	_ =	swait.ge [sflag:s22], $0x1  }
0xa1: {  	[sflag:s22] =	ssyncset.done $0x0  }
0xa2: {  	s23 =	simm.s32 $0x1B8E;
	[sflag:s22] =	ssyncadd.s32 $0xFFFFFFFF  }
0xa3: {  	s24 =	simm.s32 $execute0_lowered;
	[smem:$0x3FD2] =	sst s23  }
0xa4: {  	s3 =	sshll.u32 s24, $0x1;
	_ =	strace $0x80000046;
	[dreg:$0x1] =	wrdreg $0xFFFFFFFF  }
0xa5: {  	s25 =	simm.s32 $_size_execute0_lowered;
	s2 =	sadd.s32 s2, s3;
	[dreg:$0x0] =	wrdreg $0x0  }
0xa6: {  	s3 =	sshll.u32 s25, $0x1;
	[dreg:$0x2] =	wrdreg s2  }
0xa7: {  	[dreg:$0x3] =	wrdreg s3  }
0xa8: {  	[dreg:$0x4] =	wrdreg $0xC0  }
0xa9: {  	_ =	task [dreg:s6], $0x5FFFF  }
0xaa: {  	[dreg:$0x1] =	wrdreg $0xFFFFFFFF  }
0xab: {  	[dreg:$0x0] =	wrdreg $0x60  }
0xac: {  	[dreg:$0x2] =	wrdreg s0  }
0xad: {  	[dreg:$0x3] =	wrdreg s17  }
0xae: {  	[dreg:$0x4] =	wrdreg $0x9  }
0xaf: {  	_ =	task.clear_ibuf [dreg:s6], $0x5FFFF;
	_ =	strace $0x90000046  }
0xb0: {  	s26 =	simm.s32 $0x9;
	_ =	strace $0x80000048  }
0xb1: {  	_ =	swait.ge [sflag:s26], $0x1  }
0xb2: {  	[sflag:s26] =	ssyncadd.s32 $0xFFFFFFFF  }
0xb3: {  	_ =	strace $0x90000048  }
0xb4: {  	_ =	sfence  }
0xb5: {  	s28 =	sld [smem:$0x0];
	_ =	sdelay $0x1  }
0xb6: {  	s29 =	srdreg.scid  }
0xb7: {  	s30 =	sshll.u32 s29, $0xD;
	s31 =	sshrl.u32 s29, $0x2  }
0xb8: {  	s1 =	sand.u32 $0x1, s29;
	s2 =	sand.u32 $0x4000, s30;
	s0 =	sadd.s32 s31, s28  }
0xb9: {  	s1 =	sor.u32 s2, s1;
	s0 =	sshll.u32 s0, $0x11  }
0xba: {  	s0 =	sor.u32 s0, s1  }
0xbb: {  	s0 =	sadd.s32 $0x8F2B, s0  }
0xbc: {  	[sflag:s0] =	ssyncadd.remote.s32 $0x1  }
0xbd: {  	_ =	sfence.sel $0xFFFF  }
0xbe: {  	[dreg:$0x0] =	wrdreg $0xFFFFFFFF;
	(pc) =	sbr.abs _section_cstart, $3  }
0xbf: {  	[dreg:$0x1] =	wrdreg $0xFFFFFFFF  }
0xc0: {  	_ =	task.clear_ibuf [dreg:s6], $0x2FFFF;
	_ =	strace $0x9FFFFFFF  }
0xc1: {  	(tm) =	ssettm $0x7FFFFFFF  }
tec
execute0_lowered:
.L_overlay_start_1:
0x0: {  	(tag) =	ssettag $0x1  }
0x1: {  	s1 =	rddreg [dreg:$0x0]  }
0x2: {  	s2 =	rddreg [dreg:$0x1]  }
0x3: {  	s0 =	rddreg [dreg:$0x2];
	s3 =	simm.s32 $0x0  }
0x4: {  	s4 =	simm.s32 $0x80;
	[smem:$0x7FF] =	sst s3  }
0x5: {  	s5 =	simm.s32 $0x100;
	s31 =	simm.s32 $0x1;
	_ =	strace $0x80000047  }
0x6: {  	[tilespmem:s3], [sflag:$0x1] =	stream.strided.gather [hbm4b:s1+s4], $0x4000, s5, s4, $0x38;
	[tilespmem:$0xC000] =	vst v63  }
0x7: {  	_ =	swait.ge [sflag:s31], $0x4000  }
0x8: {  	[sflag:s31] =	ssyncset.done $0x0  }
0x9: {  	s6 =	simm.s32 $0x4000;
	s1 =	sadd.s32 $0x10, s1;
	[sflag:s31] =	ssyncadd.s32 $0xFFFFC000  }
0xa: {  	[tilespmem:s6], [sflag:$0x1] =	stream.strided.gather [hbm4b:s1+s4], $0x4000, s5, s4, $0x38;
	[tilespmem:$0xC000] =	vst v63  }
0xb: {  	_ =	swait.ge [sflag:s31], $0x4000  }
0xc: {  	[sflag:s31] =	ssyncset.done $0x0  }
0xd: {  	v0 =	vimm.f32 $0.0e+00;
	s3 =	simm.s32 $0x8040;
	[sflag:s31] =	ssyncadd.s32 $0xFFFFC000  }
0xe: {  	[tilespmem:s3+$0xFFFFFFC0] =	vst v0  }
0xf: {  	[tilespmem:s3+$0x30] =	vst v0  }
0x10: {  	[tilespmem:s3+$0x20] =	vst v0  }
0x11: {  	[tilespmem:s3+$0x10] =	vst v0  }
0x12: {  	[tilespmem:s3+$0x0] =	vst v0  }
0x13: {  	[tilespmem:s3+$0xFFFFFFF0] =	vst v0  }
0x14: {  	s1 =	stileid.u32;
	s4 =	simm.s32 $0x0;
	[tilespmem:s3+$0xFFFFFFE0] =	vst v0  }
.LBB2_1:
0x15: {  	s4 =	sadd.s32 $0x8, s4;
	[tilespmem:s3+$0xFFFFFFD0] =	vst v0;
	s3 =	sadd.s32 $0x80, s3  }
0x16: {  	[tilespmem:s3+$0xFFFFFFC0] =	vst v0;
	p0 =	slt.u32 s4, $0x3F8  }
0x17: {  	[tilespmem:s3+$0x30] =	vst v0  }
.Ltmp0:
0x18: {  	[tilespmem:s3+$0x20] =	vst v0;
	(pc) =	sbr.rel @p0 .LBB2_1-.Ltmp0, $4  }
0x19: {  	[tilespmem:s3+$0x10] =	vst v0  }
0x1a: {  	[tilespmem:s3+$0x0] =	vst v0  }
0x1b: {  	[tilespmem:s3+$0xFFFFFFF0] =	vst v0  }
0x1c: {  	[tilespmem:s3+$0xFFFFFFE0] =	vst v0  }
0x1d: {  	[tilespmem:s3+$0xFFFFFFD0] =	vst v0;
	s4 =	simm.s32 $0x4040  }
0x1e: {  	v1 =	vld [tilespmem:s4+$0x30]  }
0x1f: {  	v2 =	vld [tilespmem:s4+$0xFFFFFFC0]  }
0x20: {  	v4 =	vld [tilespmem:s4+$0xFFFFFFD0]  }
0x21: {  	v5 =	vld [tilespmem:s4+$0xFFFFFFE0]  }
0x22: {  	v6 =	vld [tilespmem:s4+$0xFFFFFFF0]  }
0x23: {  	s3 =	simm.s32 $0x40;
	s5 =	sshll.u32 s1, $0x5;
	v8 =	vld [tilespmem:s4+$0x0]  }
0x24: {  	v3 =	vld [tilespmem:s3+$0x30];
	v0 =	vmov s5  }
0x25: {  	v10 =	vld [tilespmem:s3+$0xFFFFFFD0];
	v7 =	vsub.s32 v1, v0;
	v1 =	vimm.f32 $1.000000000e+00  }
0x26: {  	v59 =	vld [tilespmem:s3+$0xFFFFFFF0];
	v2 =	vsub.s32 v2, v0;
	v4 =	vsub.s32 v4, v0;
	v5 =	vsub.s32 v5, v0  }
0x27: {  	v6 =	vsub.s32 v6, v0;
	v9 =	vshll.u32 v7, $0x9;
	vm0 =	vlt.u32 v7, $0x20;
	v7 =	vld [tilespmem:s3+$0xFFFFFFE0]  }
0x28: {  	v11 =	vld [tilespmem:s3+$0x0];
	v8 =	vsub.s32 v8, v0;
	vm1 =	vlt.u32 v4, $0x20;
	v4 =	vshll.u32 v4, $0x9  }
0x29: {  	v12 =	vld [tilespmem:s4+$0x10];
	vm2 =	vlt.u32 v5, $0x20;
	vm3 =	vlt.u32 v6, $0x20;
	v3 =	vadd.s32 v3, v9  }
0x2a: {  	v13 =	vld [tilespmem:s4+$0x20];
	v6 =	vshll.u32 v6, $0x9;
	v4 =	vadd.s32 v10, v4;
	v3 =	vnsel vm0, $0x0, v3  }
0x2b: {  	v60 =	vld [tilespmem:s3+$0x10];
	v5 =	vshll.u32 v5, $0x9;
	v6 =	vadd.s32 v59, v6;
	v4 =	vnsel vm1, $0x0, v4  }
0x2c: {  	v61 =	vld [tilespmem:s3+$0x20];
	v6 =	vnsel vm3, $0x0, v6;
	v5 =	vadd.s32 v7, v5;
	v7 =	vshll.u32 v8, $0x9  }
0x2d: {  	v62 =	vld [tilespmem:s3+$0xFFFFFFC0];
	vm4 =	vlt.u32 v8, $0x20;
	v5 =	vnsel vm2, $0x0, v5;
	v7 =	vadd.s32 v11, v7  }
0x2e: {  	s4 =	simm.s32 $0x8000;
	v12 =	vsub.s32 v12, v0;
	v63 =	vshll.u32 v2, $0x9;
	v7 =	vnsel vm4, $0x0, v7  }
0x2f: {  	vm5 =	vlt.u32 v2, $0x20;
	vm6 =	vlt.u32 v12, $0x20;
	v2 =	vsub.s32 v13, v0;
	[tilespmem:v3+s4+$0x0] =	vst.idx.add.f32.msk vm0, v1  }
0x30: {  	vm7 =	vlt.u32 v2, $0x20;
	v2 =	vshll.u32 v2, $0x9;
	v3 =	vshll.u32 v12, $0x9;
	[tilespmem:v4+s4+$0x0] =	vst.idx.add.f32.msk vm1, v1  }
0x31: {  	vm1 =	vmmov vm5;
	vm0 =	vmmov vm6;
	v4 =	vadd.s32 v61, v2;
	[tilespmem:v6+s4+$0x0] =	vst.idx.add.f32.msk vm3, v1  }
0x32: {  	v3 =	vadd.s32 v60, v3;
	[tilespmem:v5+s4+$0x0] =	vst.idx.add.f32.msk vm2, v1;
	vm2 =	vmmov vm7;
	v5 =	vadd.s32 v62, v63  }
0x33: {  	s6 =	simm.s32 $0x40C0;
	s5 =	simm.s32 $0x0;
	v2 =	vnsel vm0, $0x0, v3;
	v3 =	vnsel vm2, $0x0, v4;
	v4 =	vnsel vm1, $0x0, v5;
	[tilespmem:v7+s4+$0x0] =	vst.idx.add.f32.msk vm4, v1  }
.LBB2_3:
0x34: {  	v5 =	vld [tilespmem:s6+$0x30];
	s5 =	sadd.s32 $0x8, s5  }
0x35: {  	s3 =	sadd.s32 $0x80, s3;
	v6 =	vld [tilespmem:s6+$0xFFFFFFC0];
	p0 =	slt.u32 s5, $0x3F8  }
0x36: {  	v7 =	vld [tilespmem:s3+$0x30]  }
0x37: {  	v8 =	vld [tilespmem:s6+$0xFFFFFFD0]  }
0x38: {  	v9 =	vld [tilespmem:s6+$0xFFFFFFE0]  }
0x39: {  	v10 =	vld [tilespmem:s6+$0xFFFFFFF0];
	v5 =	vsub.s32 v5, v0  }
0x3a: {  	v6 =	vsub.s32 v6, v0;
	v11 =	vld [tilespmem:s6+$0x0];
	v12 =	vshll.u32 v5, $0x9  }
0x3b: {  	vm8 =	vlt.u32 v5, $0x20;
	v13 =	vshll.u32 v6, $0x9;
	v14 =	vld [tilespmem:s6+$0x10];
	v5 =	vadd.s32 v7, v12  }
0x3c: {  	vm6 =	vlt.u32 v6, $0x20;
	v6 =	vsub.s32 v8, v0;
	v7 =	vld [tilespmem:s6+$0x20];
	v5 =	vnsel vm8, $0x0, v5  }
0x3d: {  	v8 =	vld [tilespmem:s3+$0xFFFFFFD0];
	vm3 =	vlt.u32 v6, $0x20;
	v6 =	vshll.u32 v6, $0x9;
	v9 =	vsub.s32 v9, v0  }
0x3e: {  	v12 =	vld [tilespmem:s3+$0xFFFFFFE0];
	vm4 =	vlt.u32 v9, $0x20;
	v9 =	vshll.u32 v9, $0x9;
	v10 =	vsub.s32 v10, v0  }
0x3f: {  	v15 =	vld [tilespmem:s3+$0xFFFFFFF0];
	vm5 =	vlt.u32 v10, $0x20;
	v10 =	vshll.u32 v10, $0x9;
	v11 =	vsub.s32 v11, v0  }
0x40: {  	v16 =	vld [tilespmem:s3+$0x0];
	vm7 =	vlt.u32 v11, $0x20;
	v11 =	vshll.u32 v11, $0x9;
	v14 =	vsub.s32 v14, v0  }
0x41: {  	vm9 =	vlt.u32 v14, $0x20;
	v14 =	vshll.u32 v14, $0x9;
	v7 =	vsub.s32 v7, v0;
	[tilespmem:v5+s4+$0x0] =	vst.idx.add.f32.msk vm8, v1  }
0x42: {  	v5 =	vadd.s32 v8, v6;
	v6 =	vld [tilespmem:s3+$0x10];
	vm8 =	vlt.u32 v7, $0x20;
	v7 =	vshll.u32 v7, $0x9  }
0x43: {  	v5 =	vnsel vm3, $0x0, v5;
	v8 =	vadd.s32 v12, v9;
	v9 =	vld [tilespmem:s3+$0x20]  }
0x44: {  	v12 =	vld [tilespmem:s3+$0xFFFFFFC0];
	v8 =	vnsel vm4, $0x0, v8;
	v10 =	vadd.s32 v15, v10  }
0x45: {  	v10 =	vnsel vm5, $0x0, v10;
	v11 =	vadd.s32 v16, v11;
	[tilespmem:v4+s4+$0x0] =	vst.idx.add.f32.msk vm1, v1;
	vm1 =	vmmov vm6  }
0x46: {  	v11 =	vnsel vm7, $0x0, v11;
	[tilespmem:v2+s4+$0x0] =	vst.idx.add.f32.msk vm0, v1;
	vm0 =	vmmov vm9  }
.Ltmp1:
0x47: {  	v2 =	vadd.s32 v6, v14;
	[tilespmem:v3+s4+$0x0] =	vst.idx.add.f32.msk vm2, v1;
	vm2 =	vmmov vm8;
	(pc) =	sbr.rel @p0 .LBB2_3-.Ltmp1, $4  }
0x48: {  	[tilespmem:v5+s4+$0x0] =	vst.idx.add.f32.msk vm3, v1;
	v2 =	vnsel vm0, $0x0, v2;
	v3 =	vadd.s32 v9, v7  }
0x49: {  	v4 =	vadd.s32 v12, v13;
	[tilespmem:v8+s4+$0x0] =	vst.idx.add.f32.msk vm4, v1;
	v3 =	vnsel vm2, $0x0, v3  }
0x4a: {  	v4 =	vnsel vm1, $0x0, v4;
	[tilespmem:v10+s4+$0x0] =	vst.idx.add.f32.msk vm5, v1  }
0x4b: {  	s6 =	sadd.s32 $0x80, s6;
	[tilespmem:v11+s4+$0x0] =	vst.idx.add.f32.msk vm7, v1  }
0x4c: {  	_ =	sdelay $0x4  }
0x4d: {  	[tilespmem:v4+s4+$0x0] =	vst.idx.add.f32.msk vm1, v1  }
0x4e: {  	[tilespmem:v2+s4+$0x0] =	vst.idx.add.f32.msk vm0, v1  }
0x4f: {  	s3 =	sshll.u32 s1, $0xB;
	[tilespmem:v3+s4+$0x0] =	vst.idx.add.f32.msk vm2, v1;
	s4 =	simm.s32 $0x400  }
0x50: {  	s5 =	simm.s32 $0x8000;
	s3 =	sadd.s32 s2, s3;
	s2 =	simm.s32 $0x80  }
0x51: {  	[hbm4b:s3+s2] =	stream.strided.scatter [tilespmem:s5], [sflag:$0x1], $0x200, s4, s2, $0x38;
	[tilespmem:$0xC000] =	vst v63  }
0x52: {  	s5 =	simm.s32 $0x1  }
0x53: {  	_ =	swait.ge [sflag:s5], $0x200  }
0x54: {  	[sflag:s5] =	ssyncset.done $0x0  }
0x55: {  	s7 =	simm.s32 $0x8200;
	s6 =	sadd.s32 $0x10, s3;
	[sflag:s5] =	ssyncadd.s32 $0xFFFFFE00  }
0x56: {  	[hbm4b:s6+s2] =	stream.strided.scatter [tilespmem:s7], [sflag:$0x1], $0x200, s4, s2, $0x38;
	[tilespmem:$0xC000] =	vst v63  }
0x57: {  	_ =	swait.ge [sflag:s5], $0x200  }
0x58: {  	[sflag:s5] =	ssyncset.done $0x0  }
0x59: {  	s20 =	simm.s32 $0x8400;
	s19 =	sadd.s32 $0x20, s3;
	[sflag:s5] =	ssyncadd.s32 $0xFFFFFE00  }
0x5a: {  	[hbm4b:s19+s2] =	stream.strided.scatter [tilespmem:s20], [sflag:$0x1], $0x200, s4, s2, $0x38;
	[tilespmem:$0xC000] =	vst v63  }
0x5b: {  	_ =	swait.ge [sflag:s5], $0x200  }
0x5c: {  	[sflag:s5] =	ssyncset.done $0x0  }
0x5d: {  	s22 =	simm.s32 $0x8600;
	s21 =	sadd.s32 $0x30, s3;
	[sflag:s5] =	ssyncadd.s32 $0xFFFFFE00  }
0x5e: {  	[hbm4b:s21+s2] =	stream.strided.scatter [tilespmem:s22], [sflag:$0x1], $0x200, s4, s2, $0x38;
	[tilespmem:$0xC000] =	vst v63  }
0x5f: {  	_ =	swait.ge [sflag:s5], $0x200  }
0x60: {  	[sflag:s5] =	ssyncset.done $0x0  }
0x61: {  	s24 =	simm.s32 $0x8800;
	s23 =	sadd.s32 $0x40, s3;
	[sflag:s5] =	ssyncadd.s32 $0xFFFFFE00  }
0x62: {  	[hbm4b:s23+s2] =	stream.strided.scatter [tilespmem:s24], [sflag:$0x1], $0x200, s4, s2, $0x38;
	[tilespmem:$0xC000] =	vst v63  }
0x63: {  	_ =	swait.ge [sflag:s5], $0x200  }
0x64: {  	[sflag:s5] =	ssyncset.done $0x0  }
0x65: {  	s26 =	simm.s32 $0x8A00;
	s25 =	sadd.s32 $0x50, s3;
	[sflag:s5] =	ssyncadd.s32 $0xFFFFFE00  }
0x66: {  	[hbm4b:s25+s2] =	stream.strided.scatter [tilespmem:s26], [sflag:$0x1], $0x200, s4, s2, $0x38;
	[tilespmem:$0xC000] =	vst v63  }
0x67: {  	_ =	swait.ge [sflag:s5], $0x200  }
0x68: {  	[sflag:s5] =	ssyncset.done $0x0  }
0x69: {  	s29 =	simm.s32 $0x8C00;
	s28 =	sadd.s32 $0x60, s3;
	[sflag:s5] =	ssyncadd.s32 $0xFFFFFE00  }
0x6a: {  	[hbm4b:s28+s2] =	stream.strided.scatter [tilespmem:s29], [sflag:$0x1], $0x200, s4, s2, $0x38;
	[tilespmem:$0xC000] =	vst v63  }
0x6b: {  	_ =	swait.ge [sflag:s5], $0x200  }
0x6c: {  	[sflag:s5] =	ssyncset.done $0x0  }
0x6d: {  	s31 =	simm.s32 $0x8E00;
	s30 =	sadd.s32 $0x70, s3;
	[sflag:s5] =	ssyncadd.s32 $0xFFFFFE00  }
0x6e: {  	[hbm4b:s30+s2] =	stream.strided.scatter [tilespmem:s31], [sflag:$0x1], $0x200, s4, s2, $0x38;
	[tilespmem:$0xC000] =	vst v63  }
0x6f: {  	_ =	swait.ge [sflag:s5], $0x200  }
0x70: {  	[sflag:s5] =	ssyncset.done $0x0  }
0x71: {  	s8 =	simm.s32 $0x9000;
	s7 =	sadd.s32 $0x200, s3;
	[sflag:s5] =	ssyncadd.s32 $0xFFFFFE00  }
0x72: {  	[hbm4b:s7+s2] =	stream.strided.scatter [tilespmem:s8], [sflag:$0x1], $0x200, s4, s2, $0x38;
	[tilespmem:$0xC000] =	vst v63  }
0x73: {  	_ =	swait.ge [sflag:s5], $0x200  }
0x74: {  	[sflag:s5] =	ssyncset.done $0x0  }
0x75: {  	s10 =	simm.s32 $0x9200;
	s9 =	sadd.s32 $0x210, s3;
	[sflag:s5] =	ssyncadd.s32 $0xFFFFFE00  }
0x76: {  	[hbm4b:s9+s2] =	stream.strided.scatter [tilespmem:s10], [sflag:$0x1], $0x200, s4, s2, $0x38;
	[tilespmem:$0xC000] =	vst v63  }
0x77: {  	_ =	swait.ge [sflag:s5], $0x200  }
0x78: {  	[sflag:s5] =	ssyncset.done $0x0  }
0x79: {  	s12 =	simm.s32 $0x9400;
	s11 =	sadd.s32 $0x220, s3;
	[sflag:s5] =	ssyncadd.s32 $0xFFFFFE00  }
0x7a: {  	[hbm4b:s11+s2] =	stream.strided.scatter [tilespmem:s12], [sflag:$0x1], $0x200, s4, s2, $0x38;
	[tilespmem:$0xC000] =	vst v63  }
0x7b: {  	_ =	swait.ge [sflag:s5], $0x200  }
0x7c: {  	[sflag:s5] =	ssyncset.done $0x0  }
0x7d: {  	s14 =	simm.s32 $0x9600;
	s13 =	sadd.s32 $0x230, s3;
	[sflag:s5] =	ssyncadd.s32 $0xFFFFFE00  }
0x7e: {  	[hbm4b:s13+s2] =	stream.strided.scatter [tilespmem:s14], [sflag:$0x1], $0x200, s4, s2, $0x38;
	[tilespmem:$0xC000] =	vst v63  }
0x7f: {  	_ =	swait.ge [sflag:s5], $0x200  }
0x80: {  	[sflag:s5] =	ssyncset.done $0x0  }
0x81: {  	s16 =	simm.s32 $0x9800;
	s15 =	sadd.s32 $0x240, s3;
	[sflag:s5] =	ssyncadd.s32 $0xFFFFFE00  }
0x82: {  	[hbm4b:s15+s2] =	stream.strided.scatter [tilespmem:s16], [sflag:$0x1], $0x200, s4, s2, $0x38;
	[tilespmem:$0xC000] =	vst v63  }
0x83: {  	_ =	swait.ge [sflag:s5], $0x200  }
0x84: {  	[sflag:s5] =	ssyncset.done $0x0  }
0x85: {  	s18 =	simm.s32 $0x9A00;
	s17 =	sadd.s32 $0x250, s3;
	[sflag:s5] =	ssyncadd.s32 $0xFFFFFE00  }
0x86: {  	[hbm4b:s17+s2] =	stream.strided.scatter [tilespmem:s18], [sflag:$0x1], $0x200, s4, s2, $0x38;
	[tilespmem:$0xC000] =	vst v63  }
0x87: {  	_ =	swait.ge [sflag:s5], $0x200  }
0x88: {  	[sflag:s5] =	ssyncset.done $0x0  }
0x89: {  	s19 =	sadd.s32 $0x260, s3;
	s20 =	simm.s32 $0x9C00;
	[sflag:s5] =	ssyncadd.s32 $0xFFFFFE00  }
0x8a: {  	[hbm4b:s19+s2] =	stream.strided.scatter [tilespmem:s20], [sflag:$0x1], $0x200, s4, s2, $0x38;
	[tilespmem:$0xC000] =	vst v63  }
0x8b: {  	_ =	swait.ge [sflag:s5], $0x200  }
0x8c: {  	[sflag:s5] =	ssyncset.done $0x0  }
0x8d: {  	s21 =	sadd.s32 $0x270, s3;
	s22 =	simm.s32 $0x9E00;
	[sflag:s5] =	ssyncadd.s32 $0xFFFFFE00  }
0x8e: {  	[hbm4b:s21+s2] =	stream.strided.scatter [tilespmem:s22], [sflag:$0x1], $0x200, s4, s2, $0x38;
	[tilespmem:$0xC000] =	vst v63  }
0x8f: {  	_ =	swait.ge [sflag:s5], $0x200  }
0x90: {  	[sflag:s5] =	ssyncset.done $0x0  }
0x91: {  	s23 =	sadd.s32 $0x400, s3;
	s24 =	simm.s32 $0xA000;
	[sflag:s5] =	ssyncadd.s32 $0xFFFFFE00  }
0x92: {  	[hbm4b:s23+s2] =	stream.strided.scatter [tilespmem:s24], [sflag:$0x1], $0x200, s4, s2, $0x38;
	[tilespmem:$0xC000] =	vst v63  }
0x93: {  	_ =	swait.ge [sflag:s5], $0x200  }
0x94: {  	[sflag:s5] =	ssyncset.done $0x0  }
0x95: {  	s25 =	sadd.s32 $0x410, s3;
	s26 =	simm.s32 $0xA200;
	[sflag:s5] =	ssyncadd.s32 $0xFFFFFE00  }
0x96: {  	[hbm4b:s25+s2] =	stream.strided.scatter [tilespmem:s26], [sflag:$0x1], $0x200, s4, s2, $0x38;
	[tilespmem:$0xC000] =	vst v63  }
0x97: {  	_ =	swait.ge [sflag:s5], $0x200  }
0x98: {  	[sflag:s5] =	ssyncset.done $0x0  }
0x99: {  	s28 =	sadd.s32 $0x420, s3;
	s29 =	simm.s32 $0xA400;
	[sflag:s5] =	ssyncadd.s32 $0xFFFFFE00  }
0x9a: {  	[hbm4b:s28+s2] =	stream.strided.scatter [tilespmem:s29], [sflag:$0x1], $0x200, s4, s2, $0x38;
	[tilespmem:$0xC000] =	vst v63  }
0x9b: {  	_ =	swait.ge [sflag:s5], $0x200  }
0x9c: {  	[sflag:s5] =	ssyncset.done $0x0  }
0x9d: {  	s30 =	sadd.s32 $0x430, s3;
	s31 =	simm.s32 $0xA600;
	[sflag:s5] =	ssyncadd.s32 $0xFFFFFE00  }
0x9e: {  	[hbm4b:s30+s2] =	stream.strided.scatter [tilespmem:s31], [sflag:$0x1], $0x200, s4, s2, $0x38;
	[tilespmem:$0xC000] =	vst v63  }
0x9f: {  	_ =	swait.ge [sflag:s5], $0x200  }
0xa0: {  	[sflag:s5] =	ssyncset.done $0x0  }
0xa1: {  	s8 =	sadd.s32 $0x440, s3;
	s9 =	simm.s32 $0xA800;
	[sflag:s5] =	ssyncadd.s32 $0xFFFFFE00  }
0xa2: {  	[hbm4b:s8+s2] =	stream.strided.scatter [tilespmem:s9], [sflag:$0x1], $0x200, s4, s2, $0x38;
	[tilespmem:$0xC000] =	vst v63  }
0xa3: {  	_ =	swait.ge [sflag:s5], $0x200  }
0xa4: {  	[sflag:s5] =	ssyncset.done $0x0  }
0xa5: {  	s10 =	sadd.s32 $0x450, s3;
	s11 =	simm.s32 $0xAA00;
	[sflag:s5] =	ssyncadd.s32 $0xFFFFFE00  }
0xa6: {  	[hbm4b:s10+s2] =	stream.strided.scatter [tilespmem:s11], [sflag:$0x1], $0x200, s4, s2, $0x38;
	[tilespmem:$0xC000] =	vst v63  }
0xa7: {  	_ =	swait.ge [sflag:s5], $0x200  }
0xa8: {  	[sflag:s5] =	ssyncset.done $0x0  }
0xa9: {  	s12 =	sadd.s32 $0x460, s3;
	s13 =	simm.s32 $0xAC00;
	[sflag:s5] =	ssyncadd.s32 $0xFFFFFE00  }
0xaa: {  	[hbm4b:s12+s2] =	stream.strided.scatter [tilespmem:s13], [sflag:$0x1], $0x200, s4, s2, $0x38;
	[tilespmem:$0xC000] =	vst v63  }
0xab: {  	_ =	swait.ge [sflag:s5], $0x200  }
0xac: {  	[sflag:s5] =	ssyncset.done $0x0  }
0xad: {  	s14 =	sadd.s32 $0x470, s3;
	s15 =	simm.s32 $0xAE00;
	[sflag:s5] =	ssyncadd.s32 $0xFFFFFE00  }
0xae: {  	[hbm4b:s14+s2] =	stream.strided.scatter [tilespmem:s15], [sflag:$0x1], $0x200, s4, s2, $0x38;
	[tilespmem:$0xC000] =	vst v63  }
0xaf: {  	_ =	swait.ge [sflag:s5], $0x200  }
0xb0: {  	[sflag:s5] =	ssyncset.done $0x0  }
0xb1: {  	s16 =	sadd.s32 $0x600, s3;
	s17 =	simm.s32 $0xB000;
	[sflag:s5] =	ssyncadd.s32 $0xFFFFFE00  }
0xb2: {  	[hbm4b:s16+s2] =	stream.strided.scatter [tilespmem:s17], [sflag:$0x1], $0x200, s4, s2, $0x38;
	[tilespmem:$0xC000] =	vst v63  }
0xb3: {  	_ =	swait.ge [sflag:s5], $0x200  }
0xb4: {  	[sflag:s5] =	ssyncset.done $0x0  }
0xb5: {  	s18 =	sadd.s32 $0x610, s3;
	s19 =	simm.s32 $0xB200;
	[sflag:s5] =	ssyncadd.s32 $0xFFFFFE00  }
0xb6: {  	[hbm4b:s18+s2] =	stream.strided.scatter [tilespmem:s19], [sflag:$0x1], $0x200, s4, s2, $0x38;
	[tilespmem:$0xC000] =	vst v63  }
0xb7: {  	_ =	swait.ge [sflag:s5], $0x200  }
0xb8: {  	[sflag:s5] =	ssyncset.done $0x0  }
0xb9: {  	s20 =	sadd.s32 $0x620, s3;
	s21 =	simm.s32 $0xB400;
	[sflag:s5] =	ssyncadd.s32 $0xFFFFFE00  }
0xba: {  	[hbm4b:s20+s2] =	stream.strided.scatter [tilespmem:s21], [sflag:$0x1], $0x200, s4, s2, $0x38;
	[tilespmem:$0xC000] =	vst v63  }
0xbb: {  	_ =	swait.ge [sflag:s5], $0x200  }
0xbc: {  	[sflag:s5] =	ssyncset.done $0x0  }
0xbd: {  	s22 =	sadd.s32 $0x630, s3;
	s23 =	simm.s32 $0xB600;
	[sflag:s5] =	ssyncadd.s32 $0xFFFFFE00  }
0xbe: {  	[hbm4b:s22+s2] =	stream.strided.scatter [tilespmem:s23], [sflag:$0x1], $0x200, s4, s2, $0x38;
	[tilespmem:$0xC000] =	vst v63  }
0xbf: {  	_ =	swait.ge [sflag:s5], $0x200  }
0xc0: {  	[sflag:s5] =	ssyncset.done $0x0  }
0xc1: {  	s24 =	sadd.s32 $0x640, s3;
	s25 =	simm.s32 $0xB800;
	[sflag:s5] =	ssyncadd.s32 $0xFFFFFE00  }
0xc2: {  	[hbm4b:s24+s2] =	stream.strided.scatter [tilespmem:s25], [sflag:$0x1], $0x200, s4, s2, $0x38;
	[tilespmem:$0xC000] =	vst v63  }
0xc3: {  	_ =	swait.ge [sflag:s5], $0x200  }
0xc4: {  	[sflag:s5] =	ssyncset.done $0x0  }
0xc5: {  	s26 =	sadd.s32 $0x650, s3;
	s28 =	simm.s32 $0xBA00;
	[sflag:s5] =	ssyncadd.s32 $0xFFFFFE00  }
0xc6: {  	[hbm4b:s26+s2] =	stream.strided.scatter [tilespmem:s28], [sflag:$0x1], $0x200, s4, s2, $0x38;
	[tilespmem:$0xC000] =	vst v63  }
0xc7: {  	_ =	swait.ge [sflag:s5], $0x200  }
0xc8: {  	[sflag:s5] =	ssyncset.done $0x0  }
0xc9: {  	s29 =	sadd.s32 $0x660, s3;
	s30 =	simm.s32 $0xBC00;
	[sflag:s5] =	ssyncadd.s32 $0xFFFFFE00  }
0xca: {  	[hbm4b:s29+s2] =	stream.strided.scatter [tilespmem:s30], [sflag:$0x1], $0x200, s4, s2, $0x38;
	[tilespmem:$0xC000] =	vst v63  }
0xcb: {  	_ =	swait.ge [sflag:s5], $0x200  }
0xcc: {  	[sflag:s5] =	ssyncset.done $0x0  }
0xcd: {  	s3 =	sadd.s32 $0x670, s3;
	s31 =	simm.s32 $0xBE00;
	[sflag:s5] =	ssyncadd.s32 $0xFFFFFE00  }
0xce: {  	[hbm4b:s3+s2] =	stream.strided.scatter [tilespmem:s31], [sflag:$0x1], $0x200, s4, s2, $0x38;
	[tilespmem:$0xC000] =	vst v63  }
0xcf: {  	_ =	swait.ge [sflag:s5], $0x200  }
0xd0: {  	[sflag:s5] =	ssyncset.done $0x0  }
0xd1: {  	[sflag:s5] =	ssyncadd.s32 $0xFFFFFE00  }
0xd2: {  	_ =	sfence.sel $0x180000  }
0xd3: {  	[bflag:$0x0] =	sbarrier.arrive $0xFFFF  }
0xd4: {  	p0 =	sne.s32 s1, $0x0;
	_ =	strace $0x90000047  }
0xd5: {  	s0 =	sadd.s32 @!p0 $0x100000, s0;
	[bflag:$0x2] =	sbarrier.arrive $0xFFFF  }
0xd6: {  	[sflag:s0] =	ssyncadd.tile.s32 @!p0 $0x1;
	_ =	shalt  }
.Lfunc_end2:
_tile_overlayer_lowered:
.L_overlay_start_2:
0xd7: {  	(tag) =	ssettag $0x2  }
0xd8: {  	s0 =	rddreg [dreg:$0x0];
	s2 =	stileid.u32  }
0xd9: {  	s1 =	rddreg [dreg:$0x1];
	p0 =	sne.s32 s2, $0x0  }
0xda: {  	s3 =	rddreg [dreg:$0x2];
	[bflag:$0x3] =	sbarrier.arrive $0xFFFF;
	s2 =	simm.s32 @!p0 $0x1C01  }
0xdb: {  	[timem:s3], [sflag:s2] =	dma.local @!p0 [hbm:s0], s1  }
0xdc: {  	s0 =	simm.s32 @!p0 $0x1  }
0xdd: {  	_ =	swait.ge @!p0 [sflag:s0], s1  }
0xde: {  	s1 =	ssub.s32 @!p0 $0x0, s1;
	[sflag:s0] =	ssyncset.done @!p0 $0x0  }
0xdf: {  	[sflag:s0] =	ssyncadd.s32 @!p0 s1  }
0xe0: {  	[bflag:$0x3] =	sbarrier.arrive $0xFFFF  }
0xe1: {  	_ =	shalt  }

</sc_bundles>
